<compile_context>
chip_gen: v7x
topology: tpu7x:2x2x1
jax: 0.10.2.dev20260603
libtpu: 0.0.44.dev20260713+nightly
codegen_flags: <defaults>
</compile_context>

<pallas_src>
import dataclasses
import functools

import jax
import jax.numpy as jnp
from jax import lax
from jax.experimental import pallas as pl
from jax.experimental.pallas import tpu as pltpu
from jax.experimental.pallas import tpu_sc as plsc

N = 10000
D = 128
E = 320000

NC = 2
NS = 16
NW = NC * NS

NPAD = 10240
EPAD = 327680
CH = 128
EPW = EPAD // NW
BIG = 2048
NBIG = EPW // BIG
ROWS_PT = NPAD // NS
NBUF = 2
CPW = EPW // CH
BCH = BIG // CH
NGRP = BCH // NBUF


def _mesh():
    return plsc.VectorSubcoreMesh(core_axis_name="c", subcore_axis_name="s")


def _sc_params():
    cp = pltpu.CompilerParams()
    if "needs_layout_passes" in pltpu.CompilerParams.__dataclass_fields__:
        cp = dataclasses.replace(cp, needs_layout_passes=False)
    return cp


@functools.cache
def _make_sc_hist():
    @functools.partial(
        pl.kernel,
        out_type=jax.ShapeDtypeStruct((NW, NPAD), jnp.float32),
        mesh=_mesh(),
        compiler_params=_sc_params(),
        scratch_types=[
            pltpu.VMEM((NPAD,), jnp.float32),
            pltpu.VMEM((BIG,), jnp.int32),
        ],
    )
    def sc_hist(dst_hbm, out_hbm, hist, dbuf):
        cid = lax.axis_index("c")
        sid = lax.axis_index("s")
        wid = cid * NS + sid

        @pl.loop(0, NPAD, step=16)
        def _(i):
            hist[pl.ds(i, 16)] = jnp.zeros((16,), jnp.float32)

        ebase = wid * EPW
        ones = jnp.ones((16,), jnp.float32)

        @pl.loop(0, NBIG)
        def _(j):
            pltpu.sync_copy(dst_hbm.at[pl.ds(ebase + j * BIG, BIG)], dbuf)

            @pl.loop(0, BIG, step=16)
            def _(i):
                plsc.addupdate_scatter(hist, [dbuf[pl.ds(i, 16)]], ones)

        pltpu.sync_copy(hist, out_hbm.at[wid])

    return sc_hist


@functools.cache
def _make_sc_edge():
    @functools.partial(
        pl.kernel,
        out_type=jax.ShapeDtypeStruct((NC, NPAD, D), jnp.float32),
        mesh=_mesh(),
        scratch_types=(
            [pltpu.VMEM((BIG,), jnp.int32)]
            + [pltpu.VMEM((BCH, CH), jnp.int32)]
            + [pltpu.VMEM((CH, D), jnp.float32)] * NBUF
            + [pltpu.VMEM_SHARED((NPAD, D), jnp.float32)]
            + [pltpu.SemaphoreType.DMA] * 2
        ),
    )
    def sc_edge(hs_hbm, src_hbm, dst2_hbm, out_hbm, sbuf, dbuf, *rest):
        rows = rest[:NBUF]
        acc = rest[NBUF]
        gsem = rest[NBUF + 1]
        ssem = rest[NBUF + 2]
        cid = lax.axis_index("c")
        sid = lax.axis_index("s")
        wid = cid * NS + sid

        @pl.loop(0, CH)
        def _(r):
            @pl.loop(0, D, step=16)
            def _(c):
                rows[0][r, pl.ds(c, 16)] = jnp.zeros((16,), jnp.float32)

        abase = sid * ROWS_PT

        @pl.loop(0, ROWS_PT // CH)
        def _(z):
            pltpu.sync_copy(rows[0], acc.at[pl.ds(abase + z * CH, CH)])

        plsc.subcore_barrier()

        ebase = wid * EPW
        rbase = wid * CPW

        @pl.loop(0, NBIG)
        def _(j):
            pltpu.sync_copy(src_hbm.at[pl.ds(ebase + j * BIG, BIG)], sbuf)
            pltpu.sync_copy(dst2_hbm.at[pl.ds(rbase + j * BCH, BCH)], dbuf)

            @pl.loop(0, NGRP)
            def _(g):
                c0 = g * NBUF
                gd = [
                    pltpu.async_copy(
                        hs_hbm.at[sbuf.at[pl.ds((c0 + b) * CH, CH)]],
                        rows[b], gsem)
                    for b in range(NBUF)
                ]
                for b in range(NBUF):
                    gd[b].wait()
                sd = [
                    pltpu.async_copy(
                        rows[b], acc.at[dbuf.at[c0 + b]], ssem, add=True)
                    for b in range(NBUF)
                ]
                for b in range(NBUF):
                    sd[b].wait()

        plsc.subcore_barrier()
        pltpu.sync_copy(acc.at[pl.ds(abase, ROWS_PT)],
                        out_hbm.at[cid, pl.ds(abase, ROWS_PT)])

    return sc_edge


def _dinv_from_parts(parts_t):
    deg = jnp.sum(parts_t, axis=1, keepdims=True) + 1.0
    return 1.0 / jnp.sqrt(deg)


def _tc_pre_body(pt_ref, xp_ref, w_ref, hs_ref, hd_ref):
    dinv = _dinv_from_parts(pt_ref[...])
    h = jnp.dot(xp_ref[...], w_ref[...], preferred_element_type=jnp.float32)
    hs = h * dinv
    hs_ref[...] = hs
    hd_ref[...] = hs * dinv


def _tc_mid_body(a_ref, b_ref, pt_ref, hd_ref, b1_ref, w_ref, hs_ref, hd2_ref):
    dinv = _dinv_from_parts(pt_ref[...])
    t = (a_ref[...] + b_ref[...]) * dinv + hd_ref[...] + b1_ref[...]
    n = jnp.sqrt(jnp.sum(t * t, axis=1, keepdims=True))
    x1 = t / jnp.maximum(n, 1e-12)
    h2 = jnp.dot(x1, w_ref[...], preferred_element_type=jnp.float32)
    hs2 = h2 * dinv
    hs_ref[...] = hs2
    hd2_ref[...] = hs2 * dinv


def _tc_final_body(a_ref, b_ref, pt_ref, hd_ref, b2_ref, xp_ref, out_ref):
    dinv = _dinv_from_parts(pt_ref[...])
    out_ref[...] = ((a_ref[...] + b_ref[...]) * dinv + hd_ref[...]
                    + b2_ref[...] + xp_ref[...])


_nd = jax.ShapeDtypeStruct((NPAD, D), jnp.float32)

_tc_pre = pl.pallas_call(_tc_pre_body, out_shape=(_nd, _nd))
_tc_mid = pl.pallas_call(_tc_mid_body, out_shape=(_nd, _nd))
_tc_final = pl.pallas_call(_tc_final_body, out_shape=_nd)


def kernel(x, edge_index, W1, b1, W2, b2):
    src = jnp.asarray(edge_index[0], jnp.int32)
    dst = jnp.asarray(edge_index[1], jnp.int32)
    pad = EPAD - E
    srcp = jnp.concatenate([src, jnp.zeros((pad,), jnp.int32)])
    dstp = jnp.concatenate([dst, jnp.full((pad,), NPAD - 1, jnp.int32)])
    dst2 = dstp.reshape(EPAD // CH, CH)
    xp = jnp.pad(x, ((0, NPAD - N), (0, 0)))
    b1r = b1.reshape(1, D)
    b2r = b2.reshape(1, D)

    sc_hist = _make_sc_hist()
    sc_edge = _make_sc_edge()

    parts = sc_hist(dstp)
    parts_t = parts.T

    hs1, hd1 = _tc_pre(parts_t, xp, W1)
    acc1 = sc_edge(hs1, srcp, dst2)
    hs2, hd2 = _tc_mid(acc1[0], acc1[1], parts_t, hd1, b1r, W2)
    acc2 = sc_edge(hs2, srcp, dst2)
    outp = _tc_final(acc2[0], acc2[1], parts_t, hd2, b2r, xp)
    return outp[:N]

# --- scband reference (transcript-rebuilt; emitter-appended) ---
"""Pipeline reference for scband-gcnlayer-31980326486285 (READ-ONLY COPY).

The authoritative reference and input builder live on the scoring server;
editing this copy changes nothing except your own understanding.
"""

import jax, jax.numpy as jnp
import numpy as np

N_NODES = 10000
D = 128
N_EDGES = 320000


def _gcn_conv(x, W, b, src, dst, num_nodes):
    # PyG GCNConv: x' = D^{-1/2} (A + I) D^{-1/2} (X @ W) + b
    h = x @ W
    loop = jnp.arange(num_nodes, dtype=src.dtype)
    s = jnp.concatenate([src, loop])
    d = jnp.concatenate([dst, loop])
    deg = jax.ops.segment_sum(jnp.ones_like(d, dtype=x.dtype), d, num_segments=num_nodes)
    dinv = jnp.where(deg > 0, 1.0 / jnp.sqrt(deg), 0.0)
    norm = dinv[s] * dinv[d]
    msgs = h[s] * norm[:, None]
    out = jax.ops.segment_sum(msgs, d, num_segments=num_nodes)
    return out + b


def _l2_normalize(x, eps=1e-12):
    n = jnp.sqrt(jnp.sum(x * x, axis=-1, keepdims=True))
    return x / jnp.maximum(n, eps)


def setup_inputs(seed: int = 0) -> dict:
    key = jax.random.key(seed)
    k1, k2, k3, k4 = jax.random.split(key, 4)
    x = jax.random.normal(k1, (N_NODES, D), dtype=jnp.float32)
    edge_index = jax.random.randint(k2, (2, N_EDGES), 0, N_NODES, dtype=jnp.int64) if jax.config.jax_enable_x64 else jax.random.randint(k2, (2, N_EDGES), 0, N_NODES, dtype=jnp.int32)
    glorot = float(np.sqrt(6.0 / (D + D)))
    W1 = jax.random.uniform(k3, (D, D), dtype=jnp.float32, minval=-glorot, maxval=glorot)
    W2 = jax.random.uniform(k4, (D, D), dtype=jnp.float32, minval=-glorot, maxval=glorot)
    b1 = jnp.zeros((D,), dtype=jnp.float32)
    b2 = jnp.zeros((D,), dtype=jnp.float32)
    return {"x": x, "edge_index": edge_index, "W1": W1, "b1": b1, "W2": W2, "b2": b2}


def reference(x, edge_index, W1, b1, W2, b2):
    src = edge_index[0]
    dst = edge_index[1]
    x1 = _gcn_conv(x, W1, b1, src, dst, N_NODES)
    x1 = _l2_normalize(x1)
    # dropout(p=0.9) is identity in eval mode
    x2 = _gcn_conv(x1, W2, b2, src, dst, N_NODES)
    return x2 + x

if __name__ == "__main__":
    import jax
    _d = setup_inputs()
    print(jax.jit(kernel)(*tuple(_d.values())))

</pallas_src>

<mosaic_0001>
#map = affine_map<(d0, d1) -> (0)>
#map1 = affine_map<(d0, d1) -> (0, 0)>
module attributes {stable_mosaic.version = 14 : i64} {
  func.func @sc_hist(%arg0: i32, %arg1: i32, %arg2: memref<327680xi32, #tpu.memory_space<hbm>>, %arg3: memref<32x10240xf32, #tpu.memory_space<hbm>>, %arg4: memref<10240xf32, #tpu.memory_space<vmem>>, %arg5: memref<2048xi32, #tpu.memory_space<vmem>>) attributes {dimension_semantics = [#tpu.dimension_semantics<core_parallel>, #tpu.dimension_semantics<subcore_parallel>], iteration_bounds = array<i64: 2, 16>, scalar_prefetch = 0 : i64, scratch_operands = 2 : i64, tpu.core_type = #tpu.core_type<sc_vector_subcore>, window_params = [{transform_indices = #map}, {transform_indices = #map1}]} {
    %mul3A = arith.constant 16 : i32
    %mul3A_0 = arith.muli %arg0, %mul3A : i32
    %add3A = arith.addi %mul3A_0, %arg1 : i32
    %scan3A = arith.constant 0 : i32
    %scan3A_1 = arith.constant 640 : i32
    %scan3A_2 = arith.addi %scan3A, %scan3A_1 : i32
    %scan3A_3 = arith.constant 1 : i32
    scf.for %scan3A_13 = %scan3A to %scan3A_2 step %scan3A_3  : i32 {
      %mul3A_14 = arith.constant 16 : i32
      %mul3A_15 = arith.muli %scan3A_13, %mul3A_14 : i32
      %add3A_16 = arith.constant 0 : i32
      %add3A_17 = arith.addi %add3A_16, %mul3A_15 : i32
      %broadcast_in_dim3A_18 = arith.constant 0.000000e+00 : f32
      %broadcast_in_dim3A_19 = vector.broadcast %broadcast_in_dim3A_18 : f32 to vector<16xf32>
      %swap3A = arith.index_cast %add3A_17 : i32 to index
      %swap3A_20 = tpu.vector_load %arg4[%swap3A] {strides = array<i32>} : memref<10240xf32, #tpu.memory_space<vmem>>, vector<16xf32>,
      tpu.vector_store %arg4[%swap3A], %broadcast_in_dim3A_19 {strides = array<i32>} : memref<10240xf32, #tpu.memory_space<vmem>>, vector<16xf32>,
    }
    %scan3A_4 = arith.constant 640 : i32
    %mul3A_5 = arith.constant 10240 : i32
    %mul3A_6 = arith.muli %add3A, %mul3A_5 : i32
    %broadcast_in_dim3A = arith.constant 1.000000e+00 : f32
    %broadcast_in_dim3A_7 = vector.broadcast %broadcast_in_dim3A : f32 to vector<16xf32>
    %scan3A_8 = arith.constant 0 : i32
    %scan3A_9 = arith.constant 5 : i32
    %scan3A_10 = arith.addi %scan3A_8, %scan3A_9 : i32
    %scan3A_11 = arith.constant 1 : i32
    scf.for %scan3A_13 = %scan3A_8 to %scan3A_10 step %scan3A_11  : i32 {
      %mul3A_14 = arith.constant 1 : i32
      %mul3A_15 = arith.muli %scan3A_13, %mul3A_14 : i32
      %add3A_16 = arith.constant 0 : i32
      %add3A_17 = arith.addi %add3A_16, %mul3A_15 : i32
      %mul3A_18 = arith.constant 2048 : i32
      %mul3A_19 = arith.muli %add3A_17, %mul3A_18 : i32
      %add3A_20 = arith.addi %mul3A_6, %mul3A_19 : i32
      "tpu.region"() ({
        %run_scoped3A = tpu.sem_alloc : memref<!tpu.dma_semaphore, #tpu.memory_space<semaphore_mem>>
        %dma_start3A = tpu.memref_slice %arg2[%add3A_20] : memref<327680xi32, #tpu.memory_space<hbm>> -> memref<2048xi32, #tpu.memory_space<hbm>>
        %dma_start3A_26 = tpu.memref_slice %arg2[%add3A_20] : memref<327680xi32, #tpu.memory_space<hbm>> -> memref<2048xi32, #tpu.memory_space<hbm>>
        tpu.enqueue_dma source(%dma_start3A_26 : memref<2048xi32, #tpu.memory_space<hbm>>) target(%arg5 : memref<2048xi32, #tpu.memory_space<vmem>>) target_semaphore(%run_scoped3A : memref<!tpu.dma_semaphore, #tpu.memory_space<semaphore_mem>>)
        %dma_wait3A = tpu.memref_slice %arg2[%add3A_20] : memref<327680xi32, #tpu.memory_space<hbm>> -> memref<2048xi32, #tpu.memory_space<hbm>>
        %dma_wait3A_27 = tpu.memref_slice %arg2[%add3A_20] : memref<327680xi32, #tpu.memory_space<hbm>> -> memref<2048xi32, #tpu.memory_space<hbm>>
        tpu.wait_dma2 semaphore(%run_scoped3A : memref<!tpu.dma_semaphore, #tpu.memory_space<semaphore_mem>>) src(%dma_wait3A_27 : memref<2048xi32, #tpu.memory_space<hbm>>) dst(%arg5 : memref<2048xi32, #tpu.memory_space<vmem>>)
        tpu.yield
      }) : () -> ()
      %scan3A_21 = arith.constant 0 : i32
      %scan3A_22 = arith.constant 128 : i32
      %scan3A_23 = arith.addi %scan3A_21, %scan3A_22 : i32
      %scan3A_24 = arith.constant 1 : i32
      scf.for %scan3A_26 = %scan3A_21 to %scan3A_23 step %scan3A_24  : i32 {
        %mul3A_27 = arith.constant 16 : i32
        %mul3A_28 = arith.muli %scan3A_26, %mul3A_27 : i32
        %add3A_29 = arith.constant 0 : i32
        %add3A_30 = arith.addi %add3A_29, %mul3A_28 : i32
        %get3A = arith.index_cast %add3A_30 : i32 to index
        %get3A_31 = tpu.vector_load %arg5[%get3A] {strides = array<i32>} : memref<2048xi32, #tpu.memory_space<vmem>>, vector<16xi32>,
        tpu.vector_store_idx %arg4[%get3A_31], %broadcast_in_dim3A_7 {add = true} : memref<10240xf32, #tpu.memory_space<vmem>>[vector<16xi32>], vector<16xf32>,
      }
      %scan3A_25 = arith.constant 128 : i32
    }
    %scan3A_12 = arith.constant 5 : i32
    "tpu.region"() ({
      %run_scoped3A = tpu.sem_alloc : memref<!tpu.dma_semaphore, #tpu.memory_space<semaphore_mem>>
      %dma_start3A = arith.constant 0 : i32
      %dma_start3A_13 = tpu.memref_slice %arg3[%add3A, %dma_start3A] : memref<32x10240xf32, #tpu.memory_space<hbm>> -> memref<1x10240xf32, #tpu.memory_space<hbm>>
      %dma_start3A_14 = tpu.memref_squeeze %dma_start3A_13 : memref<1x10240xf32, #tpu.memory_space<hbm>> -> memref<10240xf32, #tpu.memory_space<hbm>>
      %dma_start3A_15 = arith.constant 0 : i32
      %dma_start3A_16 = tpu.memref_slice %arg3[%add3A, %dma_start3A_15] : memref<32x10240xf32, #tpu.memory_space<hbm>> -> memref<1x10240xf32, #tpu.memory_space<hbm>>
      %dma_start3A_17 = tpu.memref_squeeze %dma_start3A_16 : memref<1x10240xf32, #tpu.memory_space<hbm>> -> memref<10240xf32, #tpu.memory_space<hbm>>
      tpu.enqueue_dma source(%arg4 : memref<10240xf32, #tpu.memory_space<vmem>>) target(%dma_start3A_17 : memref<10240xf32, #tpu.memory_space<hbm>>) target_semaphore(%run_scoped3A : memref<!tpu.dma_semaphore, #tpu.memory_space<semaphore_mem>>)
      %dma_wait3A = arith.constant 0 : i32
      %dma_wait3A_18 = tpu.memref_slice %arg3[%add3A, %dma_wait3A] : memref<32x10240xf32, #tpu.memory_space<hbm>> -> memref<1x10240xf32, #tpu.memory_space<hbm>>
      %dma_wait3A_19 = tpu.memref_squeeze %dma_wait3A_18 : memref<1x10240xf32, #tpu.memory_space<hbm>> -> memref<10240xf32, #tpu.memory_space<hbm>>
      %dma_wait3A_20 = arith.constant 0 : i32
      %dma_wait3A_21 = tpu.memref_slice %arg3[%add3A, %dma_wait3A_20] : memref<32x10240xf32, #tpu.memory_space<hbm>> -> memref<1x10240xf32, #tpu.memory_space<hbm>>
      %dma_wait3A_22 = tpu.memref_squeeze %dma_wait3A_21 : memref<1x10240xf32, #tpu.memory_space<hbm>> -> memref<10240xf32, #tpu.memory_space<hbm>>
      tpu.wait_dma2 semaphore(%run_scoped3A : memref<!tpu.dma_semaphore, #tpu.memory_space<semaphore_mem>>) src(%arg4 : memref<10240xf32, #tpu.memory_space<vmem>>) dst(%dma_wait3A_22 : memref<10240xf32, #tpu.memory_space<hbm>>)
      tpu.yield
    }) : () -> ()
    return
  }
}

#map = affine_map<(d0, d1) -> (0, 0)>
#map1 = affine_map<(d0, d1) -> (0)>
#map2 = affine_map<(d0, d1) -> (0, 0, 0)>
module attributes {stable_mosaic.version = 14 : i64} {
  func.func @sc_edge(%arg0: i32, %arg1: i32, %arg2: memref<10240x128xf32, #tpu.memory_space<hbm>>, %arg3: memref<327680xi32, #tpu.memory_space<hbm>>, %arg4: memref<2560x128xi32, #tpu.memory_space<hbm>>, %arg5: memref<2x10240x128xf32, #tpu.memory_space<hbm>>, %arg6: memref<2048xi32, #tpu.memory_space<vmem>>, %arg7: memref<16x128xi32, #tpu.memory_space<vmem>>, %arg8: memref<128x128xf32, #tpu.memory_space<vmem>>, %arg9: memref<128x128xf32, #tpu.memory_space<vmem>>, %arg10: memref<10240x128xf32, #tpu.memory_space<vmem_shared>>, %arg11: memref<!tpu.dma_semaphore, #tpu.memory_space<semaphore_mem>>, %arg12: memref<!tpu.dma_semaphore, #tpu.memory_space<semaphore_mem>>) attributes {dimension_semantics = [#tpu.dimension_semantics<core_parallel>, #tpu.dimension_semantics<subcore_parallel>], iteration_bounds = array<i64: 2, 16>, scalar_prefetch = 0 : i64, scratch_operands = 7 : i64, tpu.core_type = #tpu.core_type<sc_vector_subcore>, window_params = [{transform_indices = #map}, {transform_indices = #map1}, {transform_indices = #map}, {transform_indices = #map2}]} {
    %mul3A = arith.constant 16 : i32
    %mul3A_0 = arith.muli %arg0, %mul3A : i32
    %add3A = arith.addi %mul3A_0, %arg1 : i32
    %scan3A = arith.constant 0 : i32
    %scan3A_1 = arith.constant 128 : i32
    %scan3A_2 = arith.addi %scan3A, %scan3A_1 : i32
    %scan3A_3 = arith.constant 1 : i32
    scf.for %scan3A_22 = %scan3A to %scan3A_2 step %scan3A_3  : i32 {
      %mul3A_23 = arith.constant 1 : i32
      %mul3A_24 = arith.muli %scan3A_22, %mul3A_23 : i32
      %add3A_25 = arith.constant 0 : i32
      %add3A_26 = arith.addi %add3A_25, %mul3A_24 : i32
      %scan3A_27 = arith.constant 0 : i32
      %scan3A_28 = arith.constant 8 : i32
      %scan3A_29 = arith.addi %scan3A_27, %scan3A_28 : i32
      %scan3A_30 = arith.constant 1 : i32
      scf.for %scan3A_32 = %scan3A_27 to %scan3A_29 step %scan3A_30  : i32 {
        %mul3A_33 = arith.constant 16 : i32
        %mul3A_34 = arith.muli %scan3A_32, %mul3A_33 : i32
        %add3A_35 = arith.constant 0 : i32
        %add3A_36 = arith.addi %add3A_35, %mul3A_34 : i32
        %broadcast_in_dim3A = arith.constant 0.000000e+00 : f32
        %broadcast_in_dim3A_37 = vector.broadcast %broadcast_in_dim3A : f32 to vector<16xf32>
        %swap3A = arith.index_cast %add3A_26 : i32 to index
        %swap3A_38 = arith.index_cast %add3A_36 : i32 to index
        %swap3A_39 = tpu.vector_load %arg8[%swap3A, %swap3A_38] {strides = array<i32>} : memref<128x128xf32, #tpu.memory_space<vmem>>, vector<1x16xf32>,
        %swap3A_40 = vector.shape_cast %swap3A_39 : vector<1x16xf32> to vector<16xf32>
        %swap3A_41 = vector.shape_cast %broadcast_in_dim3A_37 : vector<16xf32> to vector<1x16xf32>
        tpu.vector_store %arg8[%swap3A, %swap3A_38], %swap3A_41 {strides = array<i32>} : memref<128x128xf32, #tpu.memory_space<vmem>>, vector<1x16xf32>,
      }
      %scan3A_31 = arith.constant 8 : i32
    }
    %scan3A_4 = arith.constant 128 : i32
    %mul3A_5 = arith.constant 640 : i32
    %mul3A_6 = arith.muli %arg1, %mul3A_5 : i32
    %scan3A_7 = arith.constant 0 : i32
    %scan3A_8 = arith.constant 5 : i32
    %scan3A_9 = arith.addi %scan3A_7, %scan3A_8 : i32
    %scan3A_10 = arith.constant 1 : i32
    scf.for %scan3A_22 = %scan3A_7 to %scan3A_9 step %scan3A_10  : i32 {
      %mul3A_23 = arith.constant 1 : i32
      %mul3A_24 = arith.muli %scan3A_22, %mul3A_23 : i32
      %add3A_25 = arith.constant 0 : i32
      %add3A_26 = arith.addi %add3A_25, %mul3A_24 : i32
      %mul3A_27 = arith.constant 128 : i32
      %mul3A_28 = arith.muli %add3A_26, %mul3A_27 : i32
      %add3A_29 = arith.addi %mul3A_6, %mul3A_28 : i32
      "tpu.region"() ({
        %run_scoped3A = tpu.sem_alloc : memref<!tpu.dma_semaphore, #tpu.memory_space<semaphore_mem>>
        %dma_start3A = arith.constant 0 : i32
        %dma_start3A_30 = tpu.memref_slice %arg10[%add3A_29, %dma_start3A] : memref<10240x128xf32, #tpu.memory_space<vmem_shared>> -> memref<128x128xf32, #tpu.memory_space<vmem_shared>>
        %dma_start3A_31 = arith.constant 0 : i32
        %dma_start3A_32 = tpu.memref_slice %arg10[%add3A_29, %dma_start3A_31] : memref<10240x128xf32, #tpu.memory_space<vmem_shared>> -> memref<128x128xf32, #tpu.memory_space<vmem_shared>>
        tpu.enqueue_dma source(%arg8 : memref<128x128xf32, #tpu.memory_space<vmem>>) target(%dma_start3A_32 : memref<128x128xf32, #tpu.memory_space<vmem_shared>>) target_semaphore(%run_scoped3A : memref<!tpu.dma_semaphore, #tpu.memory_space<semaphore_mem>>)
        %dma_wait3A = arith.constant 0 : i32
        %dma_wait3A_33 = tpu.memref_slice %arg10[%add3A_29, %dma_wait3A] : memref<10240x128xf32, #tpu.memory_space<vmem_shared>> -> memref<128x128xf32, #tpu.memory_space<vmem_shared>>
        %dma_wait3A_34 = arith.constant 0 : i32
        %dma_wait3A_35 = tpu.memref_slice %arg10[%add3A_29, %dma_wait3A_34] : memref<10240x128xf32, #tpu.memory_space<vmem_shared>> -> memref<128x128xf32, #tpu.memory_space<vmem_shared>>
        tpu.wait_dma2 semaphore(%run_scoped3A : memref<!tpu.dma_semaphore, #tpu.memory_space<semaphore_mem>>) src(%arg8 : memref<128x128xf32, #tpu.memory_space<vmem>>) dst(%dma_wait3A_35 : memref<128x128xf32, #tpu.memory_space<vmem_shared>>)
        tpu.yield
      }) : () -> ()
    }
    %scan3A_11 = arith.constant 5 : i32
    %barrier3A = arith.constant 0 : index
    tpu.barrier barrier_id(%barrier3A)
    %mul3A_12 = arith.constant 10240 : i32
    %mul3A_13 = arith.muli %add3A, %mul3A_12 : i32
    %mul3A_14 = arith.constant 80 : i32
    %mul3A_15 = arith.muli %add3A, %mul3A_14 : i32
    %scan3A_16 = arith.constant 0 : i32
    %scan3A_17 = arith.constant 5 : i32
    %scan3A_18 = arith.addi %scan3A_16, %scan3A_17 : i32
    %scan3A_19 = arith.constant 1 : i32
    scf.for %scan3A_22 = %scan3A_16 to %scan3A_18 step %scan3A_19  : i32 {
      %mul3A_23 = arith.constant 1 : i32
      %mul3A_24 = arith.muli %scan3A_22, %mul3A_23 : i32
      %add3A_25 = arith.constant 0 : i32
      %add3A_26 = arith.addi %add3A_25, %mul3A_24 : i32
      %mul3A_27 = arith.constant 2048 : i32
      %mul3A_28 = arith.muli %add3A_26, %mul3A_27 : i32
      %add3A_29 = arith.addi %mul3A_13, %mul3A_28 : i32
      "tpu.region"() ({
        %run_scoped3A = tpu.sem_alloc : memref<!tpu.dma_semaphore, #tpu.memory_space<semaphore_mem>>
        %dma_start3A = tpu.memref_slice %arg3[%add3A_29] : memref<327680xi32, #tpu.memory_space<hbm>> -> memref<2048xi32, #tpu.memory_space<hbm>>
        %dma_start3A_38 = tpu.memref_slice %arg3[%add3A_29] : memref<327680xi32, #tpu.memory_space<hbm>> -> memref<2048xi32, #tpu.memory_space<hbm>>
        tpu.enqueue_dma source(%dma_start3A_38 : memref<2048xi32, #tpu.memory_space<hbm>>) target(%arg6 : memref<2048xi32, #tpu.memory_space<vmem>>) target_semaphore(%run_scoped3A : memref<!tpu.dma_semaphore, #tpu.memory_space<semaphore_mem>>)
        %dma_wait3A = tpu.memref_slice %arg3[%add3A_29] : memref<327680xi32, #tpu.memory_space<hbm>> -> memref<2048xi32, #tpu.memory_space<hbm>>
        %dma_wait3A_39 = tpu.memref_slice %arg3[%add3A_29] : memref<327680xi32, #tpu.memory_space<hbm>> -> memref<2048xi32, #tpu.memory_space<hbm>>
        tpu.wait_dma2 semaphore(%run_scoped3A : memref<!tpu.dma_semaphore, #tpu.memory_space<semaphore_mem>>) src(%dma_wait3A_39 : memref<2048xi32, #tpu.memory_space<hbm>>) dst(%arg6 : memref<2048xi32, #tpu.memory_space<vmem>>)
        tpu.yield
      }) : () -> ()
      %mul3A_30 = arith.constant 16 : i32
      %mul3A_31 = arith.muli %add3A_26, %mul3A_30 : i32
      %add3A_32 = arith.addi %mul3A_15, %mul3A_31 : i32
      "tpu.region"() ({
        %run_scoped3A = tpu.sem_alloc : memref<!tpu.dma_semaphore, #tpu.memory_space<semaphore_mem>>
        %dma_start3A = arith.constant 0 : i32
        %dma_start3A_38 = tpu.memref_slice %arg4[%add3A_32, %dma_start3A] : memref<2560x128xi32, #tpu.memory_space<hbm>> -> memref<16x128xi32, #tpu.memory_space<hbm>>
        %dma_start3A_39 = arith.constant 0 : i32
        %dma_start3A_40 = tpu.memref_slice %arg4[%add3A_32, %dma_start3A_39] : memref<2560x128xi32, #tpu.memory_space<hbm>> -> memref<16x128xi32, #tpu.memory_space<hbm>>
        tpu.enqueue_dma source(%dma_start3A_40 : memref<16x128xi32, #tpu.memory_space<hbm>>) target(%arg7 : memref<16x128xi32, #tpu.memory_space<vmem>>) target_semaphore(%run_scoped3A : memref<!tpu.dma_semaphore, #tpu.memory_space<semaphore_mem>>)
        %dma_wait3A = arith.constant 0 : i32
        %dma_wait3A_41 = tpu.memref_slice %arg4[%add3A_32, %dma_wait3A] : memref<2560x128xi32, #tpu.memory_space<hbm>> -> memref<16x128xi32, #tpu.memory_space<hbm>>
        %dma_wait3A_42 = arith.constant 0 : i32
        %dma_wait3A_43 = tpu.memref_slice %arg4[%add3A_32, %dma_wait3A_42] : memref<2560x128xi32, #tpu.memory_space<hbm>> -> memref<16x128xi32, #tpu.memory_space<hbm>>
        tpu.wait_dma2 semaphore(%run_scoped3A : memref<!tpu.dma_semaphore, #tpu.memory_space<semaphore_mem>>) src(%dma_wait3A_43 : memref<16x128xi32, #tpu.memory_space<hbm>>) dst(%arg7 : memref<16x128xi32, #tpu.memory_space<vmem>>)
        tpu.yield
      }) : () -> ()
      %scan3A_33 = arith.constant 0 : i32
      %scan3A_34 = arith.constant 8 : i32
      %scan3A_35 = arith.addi %scan3A_33, %scan3A_34 : i32
      %scan3A_36 = arith.constant 1 : i32
      scf.for %scan3A_38 = %scan3A_33 to %scan3A_35 step %scan3A_36  : i32 {
        %mul3A_39 = arith.constant 1 : i32
        %mul3A_40 = arith.muli %scan3A_38, %mul3A_39 : i32
        %add3A_41 = arith.constant 0 : i32
        %add3A_42 = arith.addi %add3A_41, %mul3A_40 : i32
        %mul3A_43 = arith.constant 2 : i32
        %mul3A_44 = arith.muli %add3A_42, %mul3A_43 : i32
        %add3A_45 = arith.constant 0 : i32
        %add3A_46 = arith.addi %mul3A_44, %add3A_45 : i32
        %mul3A_47 = arith.constant 128 : i32
        %mul3A_48 = arith.muli %add3A_46, %mul3A_47 : i32
        %dma_start3A = tpu.memref_slice %arg6[%mul3A_48] : memref<2048xi32, #tpu.memory_space<vmem>> -> memref<128xi32, #tpu.memory_space<vmem>>
        %dma_start3A_49 = arith.constant 0 : i32
        %dma_start3A_50 = arith.constant 0 : i32
        %dma_start3A_51 = tpu.memref_slice %arg2[%dma_start3A_49, %dma_start3A_50] : memref<10240x128xf32, #tpu.memory_space<hbm>> -> memref<10240x128xf32, #tpu.memory_space<hbm>>
        tpu.enqueue_indirect_dma source(%dma_start3A_51 : memref<10240x128xf32, #tpu.memory_space<hbm>>) target(%arg8 : memref<128x128xf32, #tpu.memory_space<vmem>>) offsets(%dma_start3A : memref<128xi32, #tpu.memory_space<vmem>>) semaphore(%arg11 : memref<!tpu.dma_semaphore, #tpu.memory_space<semaphore_mem>>)
        %add3A_52 = arith.constant 1 : i32
        %add3A_53 = arith.addi %mul3A_44, %add3A_52 : i32
        %mul3A_54 = arith.constant 128 : i32
        %mul3A_55 = arith.muli %add3A_53, %mul3A_54 : i32
        %dma_start3A_56 = tpu.memref_slice %arg6[%mul3A_55] : memref<2048xi32, #tpu.memory_space<vmem>> -> memref<128xi32, #tpu.memory_space<vmem>>
        %dma_start3A_57 = arith.constant 0 : i32
        %dma_start3A_58 = arith.constant 0 : i32
        %dma_start3A_59 = tpu.memref_slice %arg2[%dma_start3A_57, %dma_start3A_58] : memref<10240x128xf32, #tpu.memory_space<hbm>> -> memref<10240x128xf32, #tpu.memory_space<hbm>>
        tpu.enqueue_indirect_dma source(%dma_start3A_59 : memref<10240x128xf32, #tpu.memory_space<hbm>>) target(%arg9 : memref<128x128xf32, #tpu.memory_space<vmem>>) offsets(%dma_start3A_56 : memref<128xi32, #tpu.memory_space<vmem>>) semaphore(%arg11 : memref<!tpu.dma_semaphore, #tpu.memory_space<semaphore_mem>>)
        %dma_wait3A = tpu.memref_slice %arg6[%mul3A_48] : memref<2048xi32, #tpu.memory_space<vmem>> -> memref<128xi32, #tpu.memory_space<vmem>>
        %dma_wait3A_60 = arith.constant 0 : i32
        %dma_wait3A_61 = arith.constant 0 : i32
        %dma_wait3A_62 = tpu.memref_slice %arg2[%dma_wait3A_60, %dma_wait3A_61] : memref<10240x128xf32, #tpu.memory_space<hbm>> -> memref<10240x128xf32, #tpu.memory_space<hbm>>
        tpu.wait_indirect_dma semaphore(%arg11 : memref<!tpu.dma_semaphore, #tpu.memory_space<semaphore_mem>>) src(%dma_wait3A_62 : memref<10240x128xf32, #tpu.memory_space<hbm>>) dst(%arg8 : memref<128x128xf32, #tpu.memory_space<vmem>>)
        %dma_wait3A_63 = tpu.memref_slice %arg6[%mul3A_55] : memref<2048xi32, #tpu.memory_space<vmem>> -> memref<128xi32, #tpu.memory_space<vmem>>
        %dma_wait3A_64 = arith.constant 0 : i32
        %dma_wait3A_65 = arith.constant 0 : i32
        %dma_wait3A_66 = tpu.memref_slice %arg2[%dma_wait3A_64, %dma_wait3A_65] : memref<10240x128xf32, #tpu.memory_space<hbm>> -> memref<10240x128xf32, #tpu.memory_space<hbm>>
        tpu.wait_indirect_dma semaphore(%arg11 : memref<!tpu.dma_semaphore, #tpu.memory_space<semaphore_mem>>) src(%dma_wait3A_66 : memref<10240x128xf32, #tpu.memory_space<hbm>>) dst(%arg9 : memref<128x128xf32, #tpu.memory_space<vmem>>)
        %add3A_67 = arith.constant 0 : i32
        %add3A_68 = arith.addi %mul3A_44, %add3A_67 : i32
        %dma_start3A_69 = arith.constant 0 : i32
        %dma_start3A_70 = tpu.memref_slice %arg7[%add3A_68, %dma_start3A_69] : memref<16x128xi32, #tpu.memory_space<vmem>> -> memref<1x128xi32, #tpu.memory_space<vmem>>
        %dma_start3A_71 = tpu.memref_squeeze %dma_start3A_70 : memref<1x128xi32, #tpu.memory_space<vmem>> -> memref<128xi32, #tpu.memory_space<vmem>>
        %dma_start3A_72 = arith.constant 0 : i32
        %dma_start3A_73 = arith.constant 0 : i32
        %dma_start3A_74 = tpu.memref_slice %arg10[%dma_start3A_72, %dma_start3A_73] : memref<10240x128xf32, #tpu.memory_space<vmem_shared>> -> memref<10240x128xf32, #tpu.memory_space<vmem_shared>>
        tpu.enqueue_indirect_dma source(%arg8 : memref<128x128xf32, #tpu.memory_space<vmem>>) target(%dma_start3A_74 : memref<10240x128xf32, #tpu.memory_space<vmem_shared>>) offsets(%dma_start3A_71 : memref<128xi32, #tpu.memory_space<vmem>>) semaphore(%arg12 : memref<!tpu.dma_semaphore, #tpu.memory_space<semaphore_mem>>) {add = true}
        %add3A_75 = arith.constant 1 : i32
        %add3A_76 = arith.addi %mul3A_44, %add3A_75 : i32
        %dma_start3A_77 = arith.constant 0 : i32
        %dma_start3A_78 = tpu.memref_slice %arg7[%add3A_76, %dma_start3A_77] : memref<16x128xi32, #tpu.memory_space<vmem>> -> memref<1x128xi32, #tpu.memory_space<vmem>>
        %dma_start3A_79 = tpu.memref_squeeze %dma_start3A_78 : memref<1x128xi32, #tpu.memory_space<vmem>> -> memref<128xi32, #tpu.memory_space<vmem>>
        %dma_start3A_80 = arith.constant 0 : i32
        %dma_start3A_81 = arith.constant 0 : i32
        %dma_start3A_82 = tpu.memref_slice %arg10[%dma_start3A_80, %dma_start3A_81] : memref<10240x128xf32, #tpu.memory_space<vmem_shared>> -> memref<10240x128xf32, #tpu.memory_space<vmem_shared>>
        tpu.enqueue_indirect_dma source(%arg9 : memref<128x128xf32, #tpu.memory_space<vmem>>) target(%dma_start3A_82 : memref<10240x128xf32, #tpu.memory_space<vmem_shared>>) offsets(%dma_start3A_79 : memref<128xi32, #tpu.memory_space<vmem>>) semaphore(%arg12 : memref<!tpu.dma_semaphore, #tpu.memory_space<semaphore_mem>>) {add = true}
        %dma_wait3A_83 = arith.constant 0 : i32
        %dma_wait3A_84 = tpu.memref_slice %arg7[%add3A_68, %dma_wait3A_83] : memref<16x128xi32, #tpu.memory_space<vmem>> -> memref<1x128xi32, #tpu.memory_space<vmem>>
        %dma_wait3A_85 = tpu.memref_squeeze %dma_wait3A_84 : memref<1x128xi32, #tpu.memory_space<vmem>> -> memref<128xi32, #tpu.memory_space<vmem>>
        %dma_wait3A_86 = arith.constant 0 : i32
        %dma_wait3A_87 = arith.constant 0 : i32
        %dma_wait3A_88 = tpu.memref_slice %arg10[%dma_wait3A_86, %dma_wait3A_87] : memref<10240x128xf32, #tpu.memory_space<vmem_shared>> -> memref<10240x128xf32, #tpu.memory_space<vmem_shared>>
        tpu.wait_indirect_dma semaphore(%arg12 : memref<!tpu.dma_semaphore, #tpu.memory_space<semaphore_mem>>) src(%arg8 : memref<128x128xf32, #tpu.memory_space<vmem>>) dst(%dma_wait3A_88 : memref<10240x128xf32, #tpu.memory_space<vmem_shared>>)
        %dma_wait3A_89 = arith.constant 0 : i32
        %dma_wait3A_90 = tpu.memref_slice %arg7[%add3A_76, %dma_wait3A_89] : memref<16x128xi32, #tpu.memory_space<vmem>> -> memref<1x128xi32, #tpu.memory_space<vmem>>
        %dma_wait3A_91 = tpu.memref_squeeze %dma_wait3A_90 : memref<1x128xi32, #tpu.memory_space<vmem>> -> memref<128xi32, #tpu.memory_space<vmem>>
        %dma_wait3A_92 = arith.constant 0 : i32
        %dma_wait3A_93 = arith.constant 0 : i32
        %dma_wait3A_94 = tpu.memref_slice %arg10[%dma_wait3A_92, %dma_wait3A_93] : memref<10240x128xf32, #tpu.memory_space<vmem_shared>> -> memref<10240x128xf32, #tpu.memory_space<vmem_shared>>
        tpu.wait_indirect_dma semaphore(%arg12 : memref<!tpu.dma_semaphore, #tpu.memory_space<semaphore_mem>>) src(%arg9 : memref<128x128xf32, #tpu.memory_space<vmem>>) dst(%dma_wait3A_94 : memref<10240x128xf32, #tpu.memory_space<vmem_shared>>)
      }
      %scan3A_37 = arith.constant 8 : i32
    }
    %scan3A_20 = arith.constant 5 : i32
    %barrier3A_21 = arith.constant 0 : index
    tpu.barrier barrier_id(%barrier3A_21)
    "tpu.region"() ({
      %run_scoped3A = tpu.sem_alloc : memref<!tpu.dma_semaphore, #tpu.memory_space<semaphore_mem>>
      %dma_start3A = arith.constant 0 : i32
      %dma_start3A_22 = tpu.memref_slice %arg5[%arg0, %mul3A_6, %dma_start3A] : memref<2x10240x128xf32, #tpu.memory_space<hbm>> -> memref<1x640x128xf32, #tpu.memory_space<hbm>>
      %dma_start3A_23 = tpu.memref_squeeze %dma_start3A_22 : memref<1x640x128xf32, #tpu.memory_space<hbm>> -> memref<640x128xf32, #tpu.memory_space<hbm>>
      %dma_start3A_24 = arith.constant 0 : i32
      %dma_start3A_25 = tpu.memref_slice %arg10[%mul3A_6, %dma_start3A_24] : memref<10240x128xf32, #tpu.memory_space<vmem_shared>> -> memref<640x128xf32, #tpu.memory_space<vmem_shared>>
      tpu.enqueue_dma source(%dma_start3A_25 : memref<640x128xf32, #tpu.memory_space<vmem_shared>>) target(%dma_start3A_23 : memref<640x128xf32, #tpu.memory_space<hbm>>) target_semaphore(%run_scoped3A : memref<!tpu.dma_semaphore, #tpu.memory_space<semaphore_mem>>)
      %dma_wait3A = arith.constant 0 : i32
      %dma_wait3A_26 = tpu.memref_slice %arg5[%arg0, %mul3A_6, %dma_wait3A] : memref<2x10240x128xf32, #tpu.memory_space<hbm>> -> memref<1x640x128xf32, #tpu.memory_space<hbm>>
      %dma_wait3A_27 = tpu.memref_squeeze %dma_wait3A_26 : memref<1x640x128xf32, #tpu.memory_space<hbm>> -> memref<640x128xf32, #tpu.memory_space<hbm>>
      %dma_wait3A_28 = arith.constant 0 : i32
      %dma_wait3A_29 = tpu.memref_slice %arg10[%mul3A_6, %dma_wait3A_28] : memref<10240x128xf32, #tpu.memory_space<vmem_shared>> -> memref<640x128xf32, #tpu.memory_space<vmem_shared>>
      tpu.wait_dma2 semaphore(%run_scoped3A : memref<!tpu.dma_semaphore, #tpu.memory_space<semaphore_mem>>) src(%dma_wait3A_29 : memref<640x128xf32, #tpu.memory_space<vmem_shared>>) dst(%dma_wait3A_27 : memref<640x128xf32, #tpu.memory_space<hbm>>)
      tpu.yield
    }) : () -> ()
    return
  }
}

#map = affine_map<(d0, d1) -> (0, 0)>
#map1 = affine_map<(d0, d1) -> (0)>
#map2 = affine_map<(d0, d1) -> (0, 0, 0)>
module attributes {stable_mosaic.version = 14 : i64} {
  func.func @sc_edge(%arg0: i32, %arg1: i32, %arg2: memref<10240x128xf32, #tpu.memory_space<hbm>>, %arg3: memref<327680xi32, #tpu.memory_space<hbm>>, %arg4: memref<2560x128xi32, #tpu.memory_space<hbm>>, %arg5: memref<2x10240x128xf32, #tpu.memory_space<hbm>>, %arg6: memref<2048xi32, #tpu.memory_space<vmem>>, %arg7: memref<16x128xi32, #tpu.memory_space<vmem>>, %arg8: memref<128x128xf32, #tpu.memory_space<vmem>>, %arg9: memref<128x128xf32, #tpu.memory_space<vmem>>, %arg10: memref<10240x128xf32, #tpu.memory_space<vmem_shared>>, %arg11: memref<!tpu.dma_semaphore, #tpu.memory_space<semaphore_mem>>, %arg12: memref<!tpu.dma_semaphore, #tpu.memory_space<semaphore_mem>>) attributes {dimension_semantics = [#tpu.dimension_semantics<core_parallel>, #tpu.dimension_semantics<subcore_parallel>], iteration_bounds = array<i64: 2, 16>, scalar_prefetch = 0 : i64, scratch_operands = 7 : i64, tpu.core_type = #tpu.core_type<sc_vector_subcore>, window_params = [{transform_indices = #map}, {transform_indices = #map1}, {transform_indices = #map}, {transform_indices = #map2}]} {
    %mul3A = arith.constant 16 : i32
    %mul3A_0 = arith.muli %arg0, %mul3A : i32
    %add3A = arith.addi %mul3A_0, %arg1 : i32
    %scan3A = arith.constant 0 : i32
    %scan3A_1 = arith.constant 128 : i32
    %scan3A_2 = arith.addi %scan3A, %scan3A_1 : i32
    %scan3A_3 = arith.constant 1 : i32
    scf.for %scan3A_22 = %scan3A to %scan3A_2 step %scan3A_3  : i32 {
      %mul3A_23 = arith.constant 1 : i32
      %mul3A_24 = arith.muli %scan3A_22, %mul3A_23 : i32
      %add3A_25 = arith.constant 0 : i32
      %add3A_26 = arith.addi %add3A_25, %mul3A_24 : i32
      %scan3A_27 = arith.constant 0 : i32
      %scan3A_28 = arith.constant 8 : i32
      %scan3A_29 = arith.addi %scan3A_27, %scan3A_28 : i32
      %scan3A_30 = arith.constant 1 : i32
      scf.for %scan3A_32 = %scan3A_27 to %scan3A_29 step %scan3A_30  : i32 {
        %mul3A_33 = arith.constant 16 : i32
        %mul3A_34 = arith.muli %scan3A_32, %mul3A_33 : i32
        %add3A_35 = arith.constant 0 : i32
        %add3A_36 = arith.addi %add3A_35, %mul3A_34 : i32
        %broadcast_in_dim3A = arith.constant 0.000000e+00 : f32
        %broadcast_in_dim3A_37 = vector.broadcast %broadcast_in_dim3A : f32 to vector<16xf32>
        %swap3A = arith.index_cast %add3A_26 : i32 to index
        %swap3A_38 = arith.index_cast %add3A_36 : i32 to index
        %swap3A_39 = tpu.vector_load %arg8[%swap3A, %swap3A_38] {strides = array<i32>} : memref<128x128xf32, #tpu.memory_space<vmem>>, vector<1x16xf32>,
        %swap3A_40 = vector.shape_cast %swap3A_39 : vector<1x16xf32> to vector<16xf32>
        %swap3A_41 = vector.shape_cast %broadcast_in_dim3A_37 : vector<16xf32> to vector<1x16xf32>
        tpu.vector_store %arg8[%swap3A, %swap3A_38], %swap3A_41 {strides = array<i32>} : memref<128x128xf32, #tpu.memory_space<vmem>>, vector<1x16xf32>,
      }
      %scan3A_31 = arith.constant 8 : i32
    }
    %scan3A_4 = arith.constant 128 : i32
    %mul3A_5 = arith.constant 640 : i32
    %mul3A_6 = arith.muli %arg1, %mul3A_5 : i32
    %scan3A_7 = arith.constant 0 : i32
    %scan3A_8 = arith.constant 5 : i32
    %scan3A_9 = arith.addi %scan3A_7, %scan3A_8 : i32
    %scan3A_10 = arith.constant 1 : i32
    scf.for %scan3A_22 = %scan3A_7 to %scan3A_9 step %scan3A_10  : i32 {
      %mul3A_23 = arith.constant 1 : i32
      %mul3A_24 = arith.muli %scan3A_22, %mul3A_23 : i32
      %add3A_25 = arith.constant 0 : i32
      %add3A_26 = arith.addi %add3A_25, %mul3A_24 : i32
      %mul3A_27 = arith.constant 128 : i32
      %mul3A_28 = arith.muli %add3A_26, %mul3A_27 : i32
      %add3A_29 = arith.addi %mul3A_6, %mul3A_28 : i32
      "tpu.region"() ({
        %run_scoped3A = tpu.sem_alloc : memref<!tpu.dma_semaphore, #tpu.memory_space<semaphore_mem>>
        %dma_start3A = arith.constant 0 : i32
        %dma_start3A_30 = tpu.memref_slice %arg10[%add3A_29, %dma_start3A] : memref<10240x128xf32, #tpu.memory_space<vmem_shared>> -> memref<128x128xf32, #tpu.memory_space<vmem_shared>>
        %dma_start3A_31 = arith.constant 0 : i32
        %dma_start3A_32 = tpu.memref_slice %arg10[%add3A_29, %dma_start3A_31] : memref<10240x128xf32, #tpu.memory_space<vmem_shared>> -> memref<128x128xf32, #tpu.memory_space<vmem_shared>>
        tpu.enqueue_dma source(%arg8 : memref<128x128xf32, #tpu.memory_space<vmem>>) target(%dma_start3A_32 : memref<128x128xf32, #tpu.memory_space<vmem_shared>>) target_semaphore(%run_scoped3A : memref<!tpu.dma_semaphore, #tpu.memory_space<semaphore_mem>>)
        %dma_wait3A = arith.constant 0 : i32
        %dma_wait3A_33 = tpu.memref_slice %arg10[%add3A_29, %dma_wait3A] : memref<10240x128xf32, #tpu.memory_space<vmem_shared>> -> memref<128x128xf32, #tpu.memory_space<vmem_shared>>
        %dma_wait3A_34 = arith.constant 0 : i32
        %dma_wait3A_35 = tpu.memref_slice %arg10[%add3A_29, %dma_wait3A_34] : memref<10240x128xf32, #tpu.memory_space<vmem_shared>> -> memref<128x128xf32, #tpu.memory_space<vmem_shared>>
        tpu.wait_dma2 semaphore(%run_scoped3A : memref<!tpu.dma_semaphore, #tpu.memory_space<semaphore_mem>>) src(%arg8 : memref<128x128xf32, #tpu.memory_space<vmem>>) dst(%dma_wait3A_35 : memref<128x128xf32, #tpu.memory_space<vmem_shared>>)
        tpu.yield
      }) : () -> ()
    }
    %scan3A_11 = arith.constant 5 : i32
    %barrier3A = arith.constant 0 : index
    tpu.barrier barrier_id(%barrier3A)
    %mul3A_12 = arith.constant 10240 : i32
    %mul3A_13 = arith.muli %add3A, %mul3A_12 : i32
    %mul3A_14 = arith.constant 80 : i32
    %mul3A_15 = arith.muli %add3A, %mul3A_14 : i32
    %scan3A_16 = arith.constant 0 : i32
    %scan3A_17 = arith.constant 5 : i32
    %scan3A_18 = arith.addi %scan3A_16, %scan3A_17 : i32
    %scan3A_19 = arith.constant 1 : i32
    scf.for %scan3A_22 = %scan3A_16 to %scan3A_18 step %scan3A_19  : i32 {
      %mul3A_23 = arith.constant 1 : i32
      %mul3A_24 = arith.muli %scan3A_22, %mul3A_23 : i32
      %add3A_25 = arith.constant 0 : i32
      %add3A_26 = arith.addi %add3A_25, %mul3A_24 : i32
      %mul3A_27 = arith.constant 2048 : i32
      %mul3A_28 = arith.muli %add3A_26, %mul3A_27 : i32
      %add3A_29 = arith.addi %mul3A_13, %mul3A_28 : i32
      "tpu.region"() ({
        %run_scoped3A = tpu.sem_alloc : memref<!tpu.dma_semaphore, #tpu.memory_space<semaphore_mem>>
        %dma_start3A = tpu.memref_slice %arg3[%add3A_29] : memref<327680xi32, #tpu.memory_space<hbm>> -> memref<2048xi32, #tpu.memory_space<hbm>>
        %dma_start3A_38 = tpu.memref_slice %arg3[%add3A_29] : memref<327680xi32, #tpu.memory_space<hbm>> -> memref<2048xi32, #tpu.memory_space<hbm>>
        tpu.enqueue_dma source(%dma_start3A_38 : memref<2048xi32, #tpu.memory_space<hbm>>) target(%arg6 : memref<2048xi32, #tpu.memory_space<vmem>>) target_semaphore(%run_scoped3A : memref<!tpu.dma_semaphore, #tpu.memory_space<semaphore_mem>>)
        %dma_wait3A = tpu.memref_slice %arg3[%add3A_29] : memref<327680xi32, #tpu.memory_space<hbm>> -> memref<2048xi32, #tpu.memory_space<hbm>>
        %dma_wait3A_39 = tpu.memref_slice %arg3[%add3A_29] : memref<327680xi32, #tpu.memory_space<hbm>> -> memref<2048xi32, #tpu.memory_space<hbm>>
        tpu.wait_dma2 semaphore(%run_scoped3A : memref<!tpu.dma_semaphore, #tpu.memory_space<semaphore_mem>>) src(%dma_wait3A_39 : memref<2048xi32, #tpu.memory_space<hbm>>) dst(%arg6 : memref<2048xi32, #tpu.memory_space<vmem>>)
        tpu.yield
      }) : () -> ()
      %mul3A_30 = arith.constant 16 : i32
      %mul3A_31 = arith.muli %add3A_26, %mul3A_30 : i32
      %add3A_32 = arith.addi %mul3A_15, %mul3A_31 : i32
      "tpu.region"() ({
        %run_scoped3A = tpu.sem_alloc : memref<!tpu.dma_semaphore, #tpu.memory_space<semaphore_mem>>
        %dma_start3A = arith.constant 0 : i32
        %dma_start3A_38 = tpu.memref_slice %arg4[%add3A_32, %dma_start3A] : memref<2560x128xi32, #tpu.memory_space<hbm>> -> memref<16x128xi32, #tpu.memory_space<hbm>>
        %dma_start3A_39 = arith.constant 0 : i32
        %dma_start3A_40 = tpu.memref_slice %arg4[%add3A_32, %dma_start3A_39] : memref<2560x128xi32, #tpu.memory_space<hbm>> -> memref<16x128xi32, #tpu.memory_space<hbm>>
        tpu.enqueue_dma source(%dma_start3A_40 : memref<16x128xi32, #tpu.memory_space<hbm>>) target(%arg7 : memref<16x128xi32, #tpu.memory_space<vmem>>) target_semaphore(%run_scoped3A : memref<!tpu.dma_semaphore, #tpu.memory_space<semaphore_mem>>)
        %dma_wait3A = arith.constant 0 : i32
        %dma_wait3A_41 = tpu.memref_slice %arg4[%add3A_32, %dma_wait3A] : memref<2560x128xi32, #tpu.memory_space<hbm>> -> memref<16x128xi32, #tpu.memory_space<hbm>>
        %dma_wait3A_42 = arith.constant 0 : i32
        %dma_wait3A_43 = tpu.memref_slice %arg4[%add3A_32, %dma_wait3A_42] : memref<2560x128xi32, #tpu.memory_space<hbm>> -> memref<16x128xi32, #tpu.memory_space<hbm>>
        tpu.wait_dma2 semaphore(%run_scoped3A : memref<!tpu.dma_semaphore, #tpu.memory_space<semaphore_mem>>) src(%dma_wait3A_43 : memref<16x128xi32, #tpu.memory_space<hbm>>) dst(%arg7 : memref<16x128xi32, #tpu.memory_space<vmem>>)
        tpu.yield
      }) : () -> ()
      %scan3A_33 = arith.constant 0 : i32
      %scan3A_34 = arith.constant 8 : i32
      %scan3A_35 = arith.addi %scan3A_33, %scan3A_34 : i32
      %scan3A_36 = arith.constant 1 : i32
      scf.for %scan3A_38 = %scan3A_33 to %scan3A_35 step %scan3A_36  : i32 {
        %mul3A_39 = arith.constant 1 : i32
        %mul3A_40 = arith.muli %scan3A_38, %mul3A_39 : i32
        %add3A_41 = arith.constant 0 : i32
        %add3A_42 = arith.addi %add3A_41, %mul3A_40 : i32
        %mul3A_43 = arith.constant 2 : i32
        %mul3A_44 = arith.muli %add3A_42, %mul3A_43 : i32
        %add3A_45 = arith.constant 0 : i32
        %add3A_46 = arith.addi %mul3A_44, %add3A_45 : i32
        %mul3A_47 = arith.constant 128 : i32
        %mul3A_48 = arith.muli %add3A_46, %mul3A_47 : i32
        %dma_start3A = tpu.memref_slice %arg6[%mul3A_48] : memref<2048xi32, #tpu.memory_space<vmem>> -> memref<128xi32, #tpu.memory_space<vmem>>
        %dma_start3A_49 = arith.constant 0 : i32
        %dma_start3A_50 = arith.constant 0 : i32
        %dma_start3A_51 = tpu.memref_slice %arg2[%dma_start3A_49, %dma_start3A_50] : memref<10240x128xf32, #tpu.memory_space<hbm>> -> memref<10240x128xf32, #tpu.memory_space<hbm>>
        tpu.enqueue_indirect_dma source(%dma_start3A_51 : memref<10240x128xf32, #tpu.memory_space<hbm>>) target(%arg8 : memref<128x128xf32, #tpu.memory_space<vmem>>) offsets(%dma_start3A : memref<128xi32, #tpu.memory_space<vmem>>) semaphore(%arg11 : memref<!tpu.dma_semaphore, #tpu.memory_space<semaphore_mem>>)
        %add3A_52 = arith.constant 1 : i32
        %add3A_53 = arith.addi %mul3A_44, %add3A_52 : i32
        %mul3A_54 = arith.constant 128 : i32
        %mul3A_55 = arith.muli %add3A_53, %mul3A_54 : i32
        %dma_start3A_56 = tpu.memref_slice %arg6[%mul3A_55] : memref<2048xi32, #tpu.memory_space<vmem>> -> memref<128xi32, #tpu.memory_space<vmem>>
        %dma_start3A_57 = arith.constant 0 : i32
        %dma_start3A_58 = arith.constant 0 : i32
        %dma_start3A_59 = tpu.memref_slice %arg2[%dma_start3A_57, %dma_start3A_58] : memref<10240x128xf32, #tpu.memory_space<hbm>> -> memref<10240x128xf32, #tpu.memory_space<hbm>>
        tpu.enqueue_indirect_dma source(%dma_start3A_59 : memref<10240x128xf32, #tpu.memory_space<hbm>>) target(%arg9 : memref<128x128xf32, #tpu.memory_space<vmem>>) offsets(%dma_start3A_56 : memref<128xi32, #tpu.memory_space<vmem>>) semaphore(%arg11 : memref<!tpu.dma_semaphore, #tpu.memory_space<semaphore_mem>>)
        %dma_wait3A = tpu.memref_slice %arg6[%mul3A_48] : memref<2048xi32, #tpu.memory_space<vmem>> -> memref<128xi32, #tpu.memory_space<vmem>>
        %dma_wait3A_60 = arith.constant 0 : i32
        %dma_wait3A_61 = arith.constant 0 : i32
        %dma_wait3A_62 = tpu.memref_slice %arg2[%dma_wait3A_60, %dma_wait3A_61] : memref<10240x128xf32, #tpu.memory_space<hbm>> -> memref<10240x128xf32, #tpu.memory_space<hbm>>
        tpu.wait_indirect_dma semaphore(%arg11 : memref<!tpu.dma_semaphore, #tpu.memory_space<semaphore_mem>>) src(%dma_wait3A_62 : memref<10240x128xf32, #tpu.memory_space<hbm>>) dst(%arg8 : memref<128x128xf32, #tpu.memory_space<vmem>>)
        %dma_wait3A_63 = tpu.memref_slice %arg6[%mul3A_55] : memref<2048xi32, #tpu.memory_space<vmem>> -> memref<128xi32, #tpu.memory_space<vmem>>
        %dma_wait3A_64 = arith.constant 0 : i32
        %dma_wait3A_65 = arith.constant 0 : i32
        %dma_wait3A_66 = tpu.memref_slice %arg2[%dma_wait3A_64, %dma_wait3A_65] : memref<10240x128xf32, #tpu.memory_space<hbm>> -> memref<10240x128xf32, #tpu.memory_space<hbm>>
        tpu.wait_indirect_dma semaphore(%arg11 : memref<!tpu.dma_semaphore, #tpu.memory_space<semaphore_mem>>) src(%dma_wait3A_66 : memref<10240x128xf32, #tpu.memory_space<hbm>>) dst(%arg9 : memref<128x128xf32, #tpu.memory_space<vmem>>)
        %add3A_67 = arith.constant 0 : i32
        %add3A_68 = arith.addi %mul3A_44, %add3A_67 : i32
        %dma_start3A_69 = arith.constant 0 : i32
        %dma_start3A_70 = tpu.memref_slice %arg7[%add3A_68, %dma_start3A_69] : memref<16x128xi32, #tpu.memory_space<vmem>> -> memref<1x128xi32, #tpu.memory_space<vmem>>
        %dma_start3A_71 = tpu.memref_squeeze %dma_start3A_70 : memref<1x128xi32, #tpu.memory_space<vmem>> -> memref<128xi32, #tpu.memory_space<vmem>>
        %dma_start3A_72 = arith.constant 0 : i32
        %dma_start3A_73 = arith.constant 0 : i32
        %dma_start3A_74 = tpu.memref_slice %arg10[%dma_start3A_72, %dma_start3A_73] : memref<10240x128xf32, #tpu.memory_space<vmem_shared>> -> memref<10240x128xf32, #tpu.memory_space<vmem_shared>>
        tpu.enqueue_indirect_dma source(%arg8 : memref<128x128xf32, #tpu.memory_space<vmem>>) target(%dma_start3A_74 : memref<10240x128xf32, #tpu.memory_space<vmem_shared>>) offsets(%dma_start3A_71 : memref<128xi32, #tpu.memory_space<vmem>>) semaphore(%arg12 : memref<!tpu.dma_semaphore, #tpu.memory_space<semaphore_mem>>) {add = true}
        %add3A_75 = arith.constant 1 : i32
        %add3A_76 = arith.addi %mul3A_44, %add3A_75 : i32
        %dma_start3A_77 = arith.constant 0 : i32
        %dma_start3A_78 = tpu.memref_slice %arg7[%add3A_76, %dma_start3A_77] : memref<16x128xi32, #tpu.memory_space<vmem>> -> memref<1x128xi32, #tpu.memory_space<vmem>>
        %dma_start3A_79 = tpu.memref_squeeze %dma_start3A_78 : memref<1x128xi32, #tpu.memory_space<vmem>> -> memref<128xi32, #tpu.memory_space<vmem>>
        %dma_start3A_80 = arith.constant 0 : i32
        %dma_start3A_81 = arith.constant 0 : i32
        %dma_start3A_82 = tpu.memref_slice %arg10[%dma_start3A_80, %dma_start3A_81] : memref<10240x128xf32, #tpu.memory_space<vmem_shared>> -> memref<10240x128xf32, #tpu.memory_space<vmem_shared>>
        tpu.enqueue_indirect_dma source(%arg9 : memref<128x128xf32, #tpu.memory_space<vmem>>) target(%dma_start3A_82 : memref<10240x128xf32, #tpu.memory_space<vmem_shared>>) offsets(%dma_start3A_79 : memref<128xi32, #tpu.memory_space<vmem>>) semaphore(%arg12 : memref<!tpu.dma_semaphore, #tpu.memory_space<semaphore_mem>>) {add = true}
        %dma_wait3A_83 = arith.constant 0 : i32
        %dma_wait3A_84 = tpu.memref_slice %arg7[%add3A_68, %dma_wait3A_83] : memref<16x128xi32, #tpu.memory_space<vmem>> -> memref<1x128xi32, #tpu.memory_space<vmem>>
        %dma_wait3A_85 = tpu.memref_squeeze %dma_wait3A_84 : memref<1x128xi32, #tpu.memory_space<vmem>> -> memref<128xi32, #tpu.memory_space<vmem>>
        %dma_wait3A_86 = arith.constant 0 : i32
        %dma_wait3A_87 = arith.constant 0 : i32
        %dma_wait3A_88 = tpu.memref_slice %arg10[%dma_wait3A_86, %dma_wait3A_87] : memref<10240x128xf32, #tpu.memory_space<vmem_shared>> -> memref<10240x128xf32, #tpu.memory_space<vmem_shared>>
        tpu.wait_indirect_dma semaphore(%arg12 : memref<!tpu.dma_semaphore, #tpu.memory_space<semaphore_mem>>) src(%arg8 : memref<128x128xf32, #tpu.memory_space<vmem>>) dst(%dma_wait3A_88 : memref<10240x128xf32, #tpu.memory_space<vmem_shared>>)
        %dma_wait3A_89 = arith.constant 0 : i32
        %dma_wait3A_90 = tpu.memref_slice %arg7[%add3A_76, %dma_wait3A_89] : memref<16x128xi32, #tpu.memory_space<vmem>> -> memref<1x128xi32, #tpu.memory_space<vmem>>
        %dma_wait3A_91 = tpu.memref_squeeze %dma_wait3A_90 : memref<1x128xi32, #tpu.memory_space<vmem>> -> memref<128xi32, #tpu.memory_space<vmem>>
        %dma_wait3A_92 = arith.constant 0 : i32
        %dma_wait3A_93 = arith.constant 0 : i32
        %dma_wait3A_94 = tpu.memref_slice %arg10[%dma_wait3A_92, %dma_wait3A_93] : memref<10240x128xf32, #tpu.memory_space<vmem_shared>> -> memref<10240x128xf32, #tpu.memory_space<vmem_shared>>
        tpu.wait_indirect_dma semaphore(%arg12 : memref<!tpu.dma_semaphore, #tpu.memory_space<semaphore_mem>>) src(%arg9 : memref<128x128xf32, #tpu.memory_space<vmem>>) dst(%dma_wait3A_94 : memref<10240x128xf32, #tpu.memory_space<vmem_shared>>)
      }
      %scan3A_37 = arith.constant 8 : i32
    }
    %scan3A_20 = arith.constant 5 : i32
    %barrier3A_21 = arith.constant 0 : index
    tpu.barrier barrier_id(%barrier3A_21)
    "tpu.region"() ({
      %run_scoped3A = tpu.sem_alloc : memref<!tpu.dma_semaphore, #tpu.memory_space<semaphore_mem>>
      %dma_start3A = arith.constant 0 : i32
      %dma_start3A_22 = tpu.memref_slice %arg5[%arg0, %mul3A_6, %dma_start3A] : memref<2x10240x128xf32, #tpu.memory_space<hbm>> -> memref<1x640x128xf32, #tpu.memory_space<hbm>>
      %dma_start3A_23 = tpu.memref_squeeze %dma_start3A_22 : memref<1x640x128xf32, #tpu.memory_space<hbm>> -> memref<640x128xf32, #tpu.memory_space<hbm>>
      %dma_start3A_24 = arith.constant 0 : i32
      %dma_start3A_25 = tpu.memref_slice %arg10[%mul3A_6, %dma_start3A_24] : memref<10240x128xf32, #tpu.memory_space<vmem_shared>> -> memref<640x128xf32, #tpu.memory_space<vmem_shared>>
      tpu.enqueue_dma source(%dma_start3A_25 : memref<640x128xf32, #tpu.memory_space<vmem_shared>>) target(%dma_start3A_23 : memref<640x128xf32, #tpu.memory_space<hbm>>) target_semaphore(%run_scoped3A : memref<!tpu.dma_semaphore, #tpu.memory_space<semaphore_mem>>)
      %dma_wait3A = arith.constant 0 : i32
      %dma_wait3A_26 = tpu.memref_slice %arg5[%arg0, %mul3A_6, %dma_wait3A] : memref<2x10240x128xf32, #tpu.memory_space<hbm>> -> memref<1x640x128xf32, #tpu.memory_space<hbm>>
      %dma_wait3A_27 = tpu.memref_squeeze %dma_wait3A_26 : memref<1x640x128xf32, #tpu.memory_space<hbm>> -> memref<640x128xf32, #tpu.memory_space<hbm>>
      %dma_wait3A_28 = arith.constant 0 : i32
      %dma_wait3A_29 = tpu.memref_slice %arg10[%mul3A_6, %dma_wait3A_28] : memref<10240x128xf32, #tpu.memory_space<vmem_shared>> -> memref<640x128xf32, #tpu.memory_space<vmem_shared>>
      tpu.wait_dma2 semaphore(%run_scoped3A : memref<!tpu.dma_semaphore, #tpu.memory_space<semaphore_mem>>) src(%dma_wait3A_29 : memref<640x128xf32, #tpu.memory_space<vmem_shared>>) dst(%dma_wait3A_27 : memref<640x128xf32, #tpu.memory_space<hbm>>)
      tpu.yield
    }) : () -> ()
    return
  }
}

module attributes {stable_mosaic.version = 14 : i64} {
  func.func @_tc_pre_body(%arg0: memref<10240x32xf32, #tpu.memory_space<vmem>>, %arg1: memref<10240x128xf32, #tpu.memory_space<vmem>>, %arg2: memref<128x128xf32, #tpu.memory_space<vmem>>, %arg3: memref<10240x128xf32, #tpu.memory_space<vmem>>, %arg4: memref<10240x128xf32, #tpu.memory_space<vmem>>) attributes {dimension_semantics = [], scalar_prefetch = 0 : i64, scratch_operands = 0 : i64, tpu.core_type = #tpu.core_type<tc>} {
    %get3A = arith.constant 0 : index
    %get3A_0 = arith.constant 0 : index
    %get3A_1 = vector.load %arg0[%get3A, %get3A_0] : memref<10240x32xf32, #tpu.memory_space<vmem>>, vector<10240x32xf32>
    %reduce_sum3A = arith.constant dense<0.000000e+00> : vector<10240xf32>
    %reduce_sum3A_2 = vector.multi_reduction <add>, %get3A_1, %reduce_sum3A [1] : vector<10240x32xf32> to vector<10240xf32>
    %broadcast_in_dim3A = vector.shape_cast %reduce_sum3A_2 : vector<10240xf32> to vector<10240x1xf32>
    %add3A = arith.constant 1.000000e+00 : f32
    %add3A_3 = vector.broadcast %add3A : f32 to vector<10240x1xf32>
    %add3A_4 = arith.addf %broadcast_in_dim3A, %add3A_3 : vector<10240x1xf32>
    %sqrt3A = math.sqrt %add3A_4 : vector<10240x1xf32>
    %div3A = arith.constant 1.000000e+00 : f32
    %div3A_5 = vector.broadcast %div3A : f32 to vector<10240x1xf32>
    %div3A_6 = arith.divf %div3A_5, %sqrt3A : vector<10240x1xf32>
    %get3A_7 = arith.constant 0 : index
    %get3A_8 = arith.constant 0 : index
    %get3A_9 = vector.load %arg1[%get3A_7, %get3A_8] : memref<10240x128xf32, #tpu.memory_space<vmem>>, vector<10240x128xf32>
    %get3A_10 = arith.constant 0 : index
    %get3A_11 = arith.constant 0 : index
    %get3A_12 = vector.load %arg2[%get3A_10, %get3A_11] : memref<128x128xf32, #tpu.memory_space<vmem>>, vector<128x128xf32>
    %dot_general3A = arith.constant dense<0.000000e+00> : vector<10240x128xf32>
    %dot_general3A_13 = tpu.matmul %get3A_9, %get3A_12, %dot_general3A {dimension_numbers = #tpu.dot_dimension_numbers<[1], [0], [0], [1], [0, 0, 1, 1], [], []>, transpose_lhs_hint = false} : vector<10240x128xf32>, vector<128x128xf32>, vector<10240x128xf32> -> vector<10240x128xf32>
    %mul3A = vector.broadcast %div3A_6 : vector<10240x1xf32> to vector<10240x128xf32>
    %mul3A_14 = arith.mulf %dot_general3A_13, %mul3A : vector<10240x128xf32>
    %swap3A = arith.constant 0 : index
    %swap3A_15 = arith.constant 0 : index
    %swap3A_16 = vector.load %arg3[%swap3A, %swap3A_15] : memref<10240x128xf32, #tpu.memory_space<vmem>>, vector<10240x128xf32>
    tpu.vector_store %arg3[%swap3A, %swap3A_15], %mul3A_14 {strides = array<i32>} : memref<10240x128xf32, #tpu.memory_space<vmem>>, vector<10240x128xf32>,
    %mul3A_17 = vector.broadcast %div3A_6 : vector<10240x1xf32> to vector<10240x128xf32>
    %mul3A_18 = arith.mulf %mul3A_14, %mul3A_17 : vector<10240x128xf32>
    %swap3A_19 = arith.constant 0 : index
    %swap3A_20 = arith.constant 0 : index
    %swap3A_21 = vector.load %arg4[%swap3A_19, %swap3A_20] : memref<10240x128xf32, #tpu.memory_space<vmem>>, vector<10240x128xf32>
    tpu.vector_store %arg4[%swap3A_19, %swap3A_20], %mul3A_18 {strides = array<i32>} : memref<10240x128xf32, #tpu.memory_space<vmem>>, vector<10240x128xf32>,
    return
  }
}

module attributes {stable_mosaic.version = 14 : i64} {
  func.func @_tc_mid_body(%arg0: memref<10240x128xf32, #tpu.memory_space<vmem>>, %arg1: memref<10240x128xf32, #tpu.memory_space<vmem>>, %arg2: memref<10240x32xf32, #tpu.memory_space<vmem>>, %arg3: memref<10240x128xf32, #tpu.memory_space<vmem>>, %arg4: memref<1x128xf32, #tpu.memory_space<vmem>>, %arg5: memref<128x128xf32, #tpu.memory_space<vmem>>, %arg6: memref<10240x128xf32, #tpu.memory_space<vmem>>, %arg7: memref<10240x128xf32, #tpu.memory_space<vmem>>) attributes {dimension_semantics = [], scalar_prefetch = 0 : i64, scratch_operands = 0 : i64, tpu.core_type = #tpu.core_type<tc>} {
    %get3A = arith.constant 0 : index
    %get3A_0 = arith.constant 0 : index
    %get3A_1 = vector.load %arg2[%get3A, %get3A_0] : memref<10240x32xf32, #tpu.memory_space<vmem>>, vector<10240x32xf32>
    %reduce_sum3A = arith.constant dense<0.000000e+00> : vector<10240xf32>
    %reduce_sum3A_2 = vector.multi_reduction <add>, %get3A_1, %reduce_sum3A [1] : vector<10240x32xf32> to vector<10240xf32>
    %broadcast_in_dim3A = vector.shape_cast %reduce_sum3A_2 : vector<10240xf32> to vector<10240x1xf32>
    %add3A = arith.constant 1.000000e+00 : f32
    %add3A_3 = vector.broadcast %add3A : f32 to vector<10240x1xf32>
    %add3A_4 = arith.addf %broadcast_in_dim3A, %add3A_3 : vector<10240x1xf32>
    %sqrt3A = math.sqrt %add3A_4 : vector<10240x1xf32>
    %div3A = arith.constant 1.000000e+00 : f32
    %div3A_5 = vector.broadcast %div3A : f32 to vector<10240x1xf32>
    %div3A_6 = arith.divf %div3A_5, %sqrt3A : vector<10240x1xf32>
    %get3A_7 = arith.constant 0 : index
    %get3A_8 = arith.constant 0 : index
    %get3A_9 = vector.load %arg0[%get3A_7, %get3A_8] : memref<10240x128xf32, #tpu.memory_space<vmem>>, vector<10240x128xf32>
    %get3A_10 = arith.constant 0 : index
    %get3A_11 = arith.constant 0 : index
    %get3A_12 = vector.load %arg1[%get3A_10, %get3A_11] : memref<10240x128xf32, #tpu.memory_space<vmem>>, vector<10240x128xf32>
    %add3A_13 = arith.addf %get3A_9, %get3A_12 : vector<10240x128xf32>
    %mul3A = vector.broadcast %div3A_6 : vector<10240x1xf32> to vector<10240x128xf32>
    %mul3A_14 = arith.mulf %add3A_13, %mul3A : vector<10240x128xf32>
    %get3A_15 = arith.constant 0 : index
    %get3A_16 = arith.constant 0 : index
    %get3A_17 = vector.load %arg3[%get3A_15, %get3A_16] : memref<10240x128xf32, #tpu.memory_space<vmem>>, vector<10240x128xf32>
    %add3A_18 = arith.addf %mul3A_14, %get3A_17 : vector<10240x128xf32>
    %get3A_19 = arith.constant 0 : index
    %get3A_20 = arith.constant 0 : index
    %get3A_21 = vector.load %arg4[%get3A_19, %get3A_20] : memref<1x128xf32, #tpu.memory_space<vmem>>, vector<1x128xf32>
    %add3A_22 = vector.broadcast %get3A_21 : vector<1x128xf32> to vector<10240x128xf32>
    %add3A_23 = arith.addf %add3A_18, %add3A_22 : vector<10240x128xf32>
    %mul3A_24 = arith.mulf %add3A_23, %add3A_23 : vector<10240x128xf32>
    %reduce_sum3A_25 = arith.constant dense<0.000000e+00> : vector<10240xf32>
    %reduce_sum3A_26 = vector.multi_reduction <add>, %mul3A_24, %reduce_sum3A_25 [1] : vector<10240x128xf32> to vector<10240xf32>
    %broadcast_in_dim3A_27 = vector.shape_cast %reduce_sum3A_26 : vector<10240xf32> to vector<10240x1xf32>
    %sqrt3A_28 = math.sqrt %broadcast_in_dim3A_27 : vector<10240x1xf32>
    %max3A = arith.constant 9.99999996E-13 : f32
    %max3A_29 = vector.broadcast %max3A : f32 to vector<10240x1xf32>
    %max3A_30 = arith.maximumf %sqrt3A_28, %max3A_29 : vector<10240x1xf32>
    %div3A_31 = vector.broadcast %max3A_30 : vector<10240x1xf32> to vector<10240x128xf32>
    %div3A_32 = arith.divf %add3A_23, %div3A_31 : vector<10240x128xf32>
    %get3A_33 = arith.constant 0 : index
    %get3A_34 = arith.constant 0 : index
    %get3A_35 = vector.load %arg5[%get3A_33, %get3A_34] : memref<128x128xf32, #tpu.memory_space<vmem>>, vector<128x128xf32>
    %dot_general3A = arith.constant dense<0.000000e+00> : vector<10240x128xf32>
    %dot_general3A_36 = tpu.matmul %div3A_32, %get3A_35, %dot_general3A {dimension_numbers = #tpu.dot_dimension_numbers<[1], [0], [0], [1], [0, 0, 1, 1], [], []>, transpose_lhs_hint = false} : vector<10240x128xf32>, vector<128x128xf32>, vector<10240x128xf32> -> vector<10240x128xf32>
    %mul3A_37 = vector.broadcast %div3A_6 : vector<10240x1xf32> to vector<10240x128xf32>
    %mul3A_38 = arith.mulf %dot_general3A_36, %mul3A_37 : vector<10240x128xf32>
    %swap3A = arith.constant 0 : index
    %swap3A_39 = arith.constant 0 : index
    %swap3A_40 = vector.load %arg6[%swap3A, %swap3A_39] : memref<10240x128xf32, #tpu.memory_space<vmem>>, vector<10240x128xf32>
    tpu.vector_store %arg6[%swap3A, %swap3A_39], %mul3A_38 {strides = array<i32>} : memref<10240x128xf32, #tpu.memory_space<vmem>>, vector<10240x128xf32>,
    %mul3A_41 = vector.broadcast %div3A_6 : vector<10240x1xf32> to vector<10240x128xf32>
    %mul3A_42 = arith.mulf %mul3A_38, %mul3A_41 : vector<10240x128xf32>
    %swap3A_43 = arith.constant 0 : index
    %swap3A_44 = arith.constant 0 : index
    %swap3A_45 = vector.load %arg7[%swap3A_43, %swap3A_44] : memref<10240x128xf32, #tpu.memory_space<vmem>>, vector<10240x128xf32>
    tpu.vector_store %arg7[%swap3A_43, %swap3A_44], %mul3A_42 {strides = array<i32>} : memref<10240x128xf32, #tpu.memory_space<vmem>>, vector<10240x128xf32>,
    return
  }
}

module attributes {stable_mosaic.version = 14 : i64} {
  func.func @_tc_final_body(%arg0: memref<10240x128xf32, #tpu.memory_space<vmem>>, %arg1: memref<10240x128xf32, #tpu.memory_space<vmem>>, %arg2: memref<10240x32xf32, #tpu.memory_space<vmem>>, %arg3: memref<10240x128xf32, #tpu.memory_space<vmem>>, %arg4: memref<1x128xf32, #tpu.memory_space<vmem>>, %arg5: memref<10240x128xf32, #tpu.memory_space<vmem>>, %arg6: memref<10240x128xf32, #tpu.memory_space<vmem>>) attributes {dimension_semantics = [], scalar_prefetch = 0 : i64, scratch_operands = 0 : i64, tpu.core_type = #tpu.core_type<tc>} {
    %get3A = arith.constant 0 : index
    %get3A_0 = arith.constant 0 : index
    %get3A_1 = vector.load %arg2[%get3A, %get3A_0] : memref<10240x32xf32, #tpu.memory_space<vmem>>, vector<10240x32xf32>
    %reduce_sum3A = arith.constant dense<0.000000e+00> : vector<10240xf32>
    %reduce_sum3A_2 = vector.multi_reduction <add>, %get3A_1, %reduce_sum3A [1] : vector<10240x32xf32> to vector<10240xf32>
    %broadcast_in_dim3A = vector.shape_cast %reduce_sum3A_2 : vector<10240xf32> to vector<10240x1xf32>
    %add3A = arith.constant 1.000000e+00 : f32
    %add3A_3 = vector.broadcast %add3A : f32 to vector<10240x1xf32>
    %add3A_4 = arith.addf %broadcast_in_dim3A, %add3A_3 : vector<10240x1xf32>
    %sqrt3A = math.sqrt %add3A_4 : vector<10240x1xf32>
    %div3A = arith.constant 1.000000e+00 : f32
    %div3A_5 = vector.broadcast %div3A : f32 to vector<10240x1xf32>
    %div3A_6 = arith.divf %div3A_5, %sqrt3A : vector<10240x1xf32>
    %get3A_7 = arith.constant 0 : index
    %get3A_8 = arith.constant 0 : index
    %get3A_9 = vector.load %arg0[%get3A_7, %get3A_8] : memref<10240x128xf32, #tpu.memory_space<vmem>>, vector<10240x128xf32>
    %get3A_10 = arith.constant 0 : index
    %get3A_11 = arith.constant 0 : index
    %get3A_12 = vector.load %arg1[%get3A_10, %get3A_11] : memref<10240x128xf32, #tpu.memory_space<vmem>>, vector<10240x128xf32>
    %add3A_13 = arith.addf %get3A_9, %get3A_12 : vector<10240x128xf32>
    %mul3A = vector.broadcast %div3A_6 : vector<10240x1xf32> to vector<10240x128xf32>
    %mul3A_14 = arith.mulf %add3A_13, %mul3A : vector<10240x128xf32>
    %get3A_15 = arith.constant 0 : index
    %get3A_16 = arith.constant 0 : index
    %get3A_17 = vector.load %arg3[%get3A_15, %get3A_16] : memref<10240x128xf32, #tpu.memory_space<vmem>>, vector<10240x128xf32>
    %add3A_18 = arith.addf %mul3A_14, %get3A_17 : vector<10240x128xf32>
    %get3A_19 = arith.constant 0 : index
    %get3A_20 = arith.constant 0 : index
    %get3A_21 = vector.load %arg4[%get3A_19, %get3A_20] : memref<1x128xf32, #tpu.memory_space<vmem>>, vector<1x128xf32>
    %add3A_22 = vector.broadcast %get3A_21 : vector<1x128xf32> to vector<10240x128xf32>
    %add3A_23 = arith.addf %add3A_18, %add3A_22 : vector<10240x128xf32>
    %get3A_24 = arith.constant 0 : index
    %get3A_25 = arith.constant 0 : index
    %get3A_26 = vector.load %arg5[%get3A_24, %get3A_25] : memref<10240x128xf32, #tpu.memory_space<vmem>>, vector<10240x128xf32>
    %add3A_27 = arith.addf %add3A_23, %get3A_26 : vector<10240x128xf32>
    %swap3A = arith.constant 0 : index
    %swap3A_28 = arith.constant 0 : index
    %swap3A_29 = vector.load %arg6[%swap3A, %swap3A_28] : memref<10240x128xf32, #tpu.memory_space<vmem>>, vector<10240x128xf32>
    tpu.vector_store %arg6[%swap3A, %swap3A_28], %add3A_27 {strides = array<i32>} : memref<10240x128xf32, #tpu.memory_space<vmem>>, vector<10240x128xf32>,
    return
  }
}

</mosaic_0001>

<sc_bundles>
// kernel: kernel.11.cloned.1.call-start
scs
__scs_entry_jumppad:
0x0: {  	(pc) =	sbr.rel $0x88, $3  }
0x1: {  	(tag) =	ssettag $0x0;
	lr =	simm.s32 $0x1  }
0x2: {  	[smem:$0x3F9B] =	sst lr;
	_ =	strace $0xD0000000  }
0x3: {  	_ = 	snop  }
0x4: {  	_ = 	snop  }
0x5: {  	_ = 	snop  }
0x6: {  	_ = 	snop  }
0x7: {  	_ = 	snop  }
__scs_overlays_trampoline_lowered:
0x8: {  	[smem:$0x3FAA] =	sst s0  }
0x9: {  	[smem:$0x3FAB] =	sst s1  }
0xa: {  	[smem:$0x3FAC] =	sst s2  }
0xb: {  	[smem:$0x3FAD] =	sst s3  }
0xc: {  	[smem:$0x3FAE] =	sst s4  }
0xd: {  	[smem:$0x3FAF] =	sst s5  }
0xe: {  	[smem:$0x3FB0] =	sst s6  }
0xf: {  	[smem:$0x3FB1] =	sst s7  }
0x10: {  	[smem:$0x3FB2] =	sst s8  }
0x11: {  	[smem:$0x3FB3] =	sst s9;
	s0 =	simm.s32 @!p0 $0x0  }
0x12: {  	s1 =	sld [smem:$0x3F99];
	s0 =	simm.s32 @p0 $0x1  }
0x13: {  	[smem:$0x3FB4] =	sst s0;
	s0 =	simm.s32 @!p1 $0x0  }
0x14: {  	s2 =	sld [smem:$0x3F98];
	s0 =	simm.s32 @p1 $0x1  }
0x15: {  	[smem:$0x3FB5] =	sst s0;
	s0 =	simm.s32 @!p2 $0x0  }
0x16: {  	s3 =	sld [smem:$0x3FDB];
	s0 =	simm.s32 @p2 $0x1  }
0x17: {  	s4 =	simm.s32 $0x1BF5;
	[smem:$0x3FB7] =	sst s0  }
0x18: {  	s0 =	sld [smem:$0x3F9A];
	_ =	swait.ge [sflag:s4], $0x0  }
0x19: {  	s7 =	sld [smem:$0x3F9B]  }
0x1a: {  	s8 =	sadd.s32 $0xFFFFE003, lr  }
0x1b: {  	s9 =	sadd.s32 $0xFFFFFEF7, lr;
	s5 =	simm.s32 $0xFFFFFFFF;
	p2 =	slt.u32 s8, $0xFFFFF086  }
0x1c: {  	p1 =	slt.u32 s9, $0xF7A;
	s5 =	simm.s32 @!p2 $0x0  }
0x1d: {  	s5 =	simm.s32 @p1 $0x1;
	p0 =	seq.s32 s7, s2  }
0x1e: {  	s7 =	smul.u32 @!p0 $0xF7A, s2;
	p2 =	seq.s32 @!p0 s5, $0x0  }
0x1f: {  	s9 =	smul.u32 $0xF7A, s1;
	s8 =	simm.s32 @!p0 $0x1BF5;
	p2 =	por !p2, p0  }
0x20: {  	[sflag:s8] =	ssyncset.s32 @!p0 $0xFFFFF086;
	s6 =	sadd.s32 @!p0 s3, s7;
	s7 =	simm.s32 @!p0 $0x108  }
0x21: {  	s3 =	sadd.s32 s3, s9;
	s6 =	sadd.s32 @!p0 $0x88, s6;
	s7 =	simm.s32 @p2 $0x1082  }
0x22: {  	[simem:s7], [sflag:s8] =	dma.local @!p0 [hbm:s6], $0xF7A  }
0x23: {  	s9 =	sor.u32 $0xD0000000, s2;
	s6 =	simm.s32 $0x108;
	_ =	swait.ge @!p0 [sflag:s8], $0x0  }
0x24: {  	s3 =	sadd.s32 $0x88, s3;
	s6 =	simm.s32 @!p1 $0x1082;
	[sflag:s4] =	ssyncset.s32 $0xFFFFF086  }
0x25: {  	[simem:s6], [sflag:s4] =	dma.local [hbm:s3], $0xF7A  }
0x26: {  	[smem:$0x3F9B] =	sst s1;
	(tag) =	ssettag s2;
	_ =	strace s9  }
0x27: {  	s1 =	sld [smem:$0x3FAB]  }
0x28: {  	s2 =	sld [smem:$0x3FAC]  }
0x29: {  	s4 =	sld [smem:$0x3FAE]  }
0x2a: {  	p0 =	seq.s32 s5, $0x0;
	s5 =	sld [smem:$0x3FAF]  }
0x2b: {  	s6 =	sld [smem:$0x3FB0]  }
0x2c: {  	s7 =	sld [smem:$0x3FB1]  }
0x2d: {  	s3 =	simm.s32 $0x108;
	s8 =	sld [smem:$0x3FB2]  }
0x2e: {  	s3 =	simm.s32 @!p0 $0x1082;
	s9 =	sld [smem:$0x3FB3]  }
0x2f: {  	lr =	sadd.s32 s0, s3;
	s0 =	sld [smem:$0x3FAA]  }
0x30: {  	s3 =	sld [smem:$0x3FAD]  }
0x31: {  	[smem:$0x3FB6] =	sst s10  }
0x32: {  	s10 =	sld [smem:$0x3FB4];
	_ =	sdelay $0x3  }
0x33: {  	p0 =	seq.s32 s10, $0x1;
	s10 =	sld [smem:$0x3FB6];
	_ =	sdelay $0x3  }
0x34: {  	[smem:$0x3FB6] =	sst s10  }
0x35: {  	s10 =	sld [smem:$0x3FB5];
	_ =	sdelay $0x3  }
0x36: {  	p1 =	seq.s32 s10, $0x1;
	s10 =	sld [smem:$0x3FB6];
	_ =	sdelay $0x3  }
0x37: {  	[smem:$0x3FB6] =	sst s10  }
0x38: {  	s10 =	sld [smem:$0x3FB7]  }
0x39: {  	_ = 	snop;
	(pc) =	sbr.ind lr, $3  }
0x3a: {  	_ = 	snop  }
0x3b: {  	_ = 	snop  }
0x3c: {  	p2 =	seq.s32 s10, $0x1;
	s10 =	sld [smem:$0x3FB6]  }
0x3d: {  	_ =	shalt  }
0x3e: {  	_ =	shalt  }
0x3f: {  	_ =	shalt  }
0x40: {  	_ =	shalt  }
0x41: {  	_ =	shalt  }
0x42: {  	_ =	shalt  }
0x43: {  	_ =	shalt  }
0x44: {  	_ =	shalt  }
0x45: {  	_ =	shalt  }
0x46: {  	_ =	shalt  }
0x47: {  	_ =	shalt  }
0x48: {  	_ =	shalt  }
0x49: {  	_ =	shalt  }
0x4a: {  	_ =	shalt  }
0x4b: {  	_ =	shalt  }
0x4c: {  	_ =	shalt  }
0x4d: {  	_ =	shalt  }
0x4e: {  	_ =	shalt  }
0x4f: {  	_ =	shalt  }
0x50: {  	_ =	shalt  }
0x51: {  	_ =	shalt  }
0x52: {  	_ =	shalt  }
0x53: {  	_ =	shalt  }
0x54: {  	_ =	shalt  }
0x55: {  	_ =	shalt  }
0x56: {  	_ =	shalt  }
0x57: {  	_ =	shalt  }
0x58: {  	_ =	shalt  }
0x59: {  	_ =	shalt  }
0x5a: {  	_ =	shalt  }
0x5b: {  	_ =	shalt  }
0x5c: {  	_ =	shalt  }
0x5d: {  	_ =	shalt  }
0x5e: {  	_ =	shalt  }
0x5f: {  	_ =	shalt  }
0x60: {  	_ =	shalt  }
0x61: {  	_ =	shalt  }
0x62: {  	_ =	shalt  }
0x63: {  	_ =	shalt  }
0x64: {  	_ =	shalt  }
0x65: {  	_ =	shalt  }
0x66: {  	_ =	shalt  }
0x67: {  	_ =	shalt  }
0x68: {  	_ =	shalt  }
0x69: {  	_ =	shalt  }
0x6a: {  	_ =	shalt  }
0x6b: {  	_ =	shalt  }
0x6c: {  	_ =	shalt  }
0x6d: {  	_ =	shalt  }
0x6e: {  	_ =	shalt  }
0x6f: {  	_ =	shalt  }
0x70: {  	_ =	shalt  }
0x71: {  	_ =	shalt  }
0x72: {  	_ =	shalt  }
0x73: {  	_ =	shalt  }
0x74: {  	_ =	shalt  }
0x75: {  	_ =	shalt  }
0x76: {  	_ =	shalt  }
0x77: {  	_ =	shalt  }
0x78: {  	_ =	shalt  }
0x79: {  	_ =	shalt  }
0x7a: {  	_ =	shalt  }
0x7b: {  	_ =	shalt  }
0x7c: {  	_ =	shalt  }
0x7d: {  	_ =	shalt  }
0x7e: {  	_ =	shalt  }
0x7f: {  	_ =	shalt  }
0x80: {  	_ =	shalt  }
0x81: {  	_ =	shalt  }
0x82: {  	_ =	shalt  }
0x83: {  	_ =	shalt  }
0x84: {  	_ =	shalt  }
0x85: {  	_ =	shalt  }
0x86: {  	_ =	shalt  }
0x87: {  	_ =	shalt  }
.Lfunc_end0:
.L_simem_size_0:
called_computation.1_lowered:
.L_overlay_start_0:
0x88: {  	s2 =	sld [smem:$0x3FD9]  }
0x89: {  	s3 =	sld [smem:$0x3FFE];
	_ =	sdelay $0x1  }
0x8a: {  	s1 =	srdreg.scid  }
0x8b: {  	s0 =	sand.u32 $0x1, s1  }
0x8c: {  	s17 =	sshll.u32 s0, $0xA;
	s2 =	sadd.s32 s3, s2  }
0x8d: {  	s2 =	sadd.s32 s2, s17  }
0x8e: {  	[smem:$0x3FC2] =	sst s2  }
0x8f: {  	_ = 	snop  }
0x90: {  	s2 =	sld [smem:$0x3FD0];
	(tm) =	ssettm $0x1  }
0x91: {  	s18 =	sld [smem:$0x3FFB];
	_ =	sdelay $0x3  }
0x92: {  	_ =	strace s18  }
0x93: {  	s3 =	sld [smem:$0x3FFC];
	_ =	sdelay $0x3  }
0x94: {  	_ =	strace s3  }
0x95: {  	s3 =	sld [smem:$0x3FFD];
	_ =	sdelay $0x3  }
0x96: {  	_ =	strace s3  }
0x97: {  	_ =	strace $0x8FFFFFFF  }
0x98: {  	s19 =	sld [smem:$0x3FDB];
	_ =	sdelay $0x1  }
0x99: {  	s4 =	simm.s32 $_scs_section_size  }
0x9a: {  	s5 =	simm.s32 $_size__tile_overlayer_lowered;
	s6 =	simm.s32 $_tile_overlayer_lowered  }
0x9b: {  	s22 =	simm.s32 $0x1BFF;
	s21 =	sshll.u32 s6, $0x1;
	s3 =	sadd.s32 s4, s19  }
0x9c: {  	s7 =	simm.s32 $0x0;
	s20 =	sshll.u32 s5, $0x1;
	s5 =	sadd.s32 s21, s3  }
0x9d: {  	[timem:s7], [sflag:s22] =	dma.local [hbm:s5], s20  }
0x9e: {  	_ =	swait.ge [sflag:s22], s20  }
0x9f: {  	s4 =	ssub.s32 $0x0, s20;
	[sflag:s22] =	ssyncset.done $0x0  }
0xa0: {  	[sflag:s22] =	ssyncadd.s32 s4;
	_ =	sdelay $0x1  }
0xa1: {  	s23 =	simm.s32 $0x1B8B  }
0xa2: {  	_ =	swait.ge [sflag:s23], $0x1  }
0xa3: {  	[sflag:s23] =	ssyncset.done $0x0  }
0xa4: {  	s25 =	simm.s32 $0x1B8E;
	s24 =	sld [smem:$0x3FFE];
	[sflag:s23] =	ssyncadd.s32 $0xFFFFFFFF  }
0xa5: {  	s26 =	simm.s32 $execute0_lowered;
	[smem:$0x3FD2] =	sst s25  }
0xa6: {  	s5 =	sshll.u32 s26, $0x1;
	_ =	strace $0x80000049;
	[dreg:$0x1] =	wrdreg $0xFFFFFFFF  }
0xa7: {  	s28 =	simm.s32 $_size_execute0_lowered;
	s3 =	sadd.s32 s3, s5;
	[dreg:$0x0] =	wrdreg $0x0  }
0xa8: {  	s5 =	sshll.u32 s28, $0x1;
	[dreg:$0x2] =	wrdreg s3  }
0xa9: {  	[dreg:$0x3] =	wrdreg s5  }
0xaa: {  	[dreg:$0x4] =	wrdreg $0xC0  }
0xab: {  	_ =	task [dreg:s7], $0x5FFFF  }
0xac: {  	[dreg:$0x1] =	wrdreg $0xFFFFFFFF  }
0xad: {  	[dreg:$0x0] =	wrdreg $0x60  }
0xae: {  	[dreg:$0x2] =	wrdreg s24  }
0xaf: {  	[dreg:$0x3] =	wrdreg s2  }
0xb0: {  	[dreg:$0x4] =	wrdreg $0x90000  }
0xb1: {  	[dreg:$0x5] =	wrdreg $0x9  }
0xb2: {  	_ =	task.clear_ibuf [dreg:s7], $0x6FFFF;
	_ =	strace $0x90000049  }
0xb3: {  	s29 =	simm.s32 $0x9;
	_ =	strace $0x8000004B  }
0xb4: {  	_ =	swait.ge [sflag:s29], $0x1  }
0xb5: {  	[sflag:s29] =	ssyncadd.s32 $0xFFFFFFFF  }
0xb6: {  	_ =	strace $0x9000004B  }
0xb7: {  	_ =	sfence  }
0xb8: {  	s30 =	sld [smem:$0x0];
	_ =	sdelay $0x2  }
0xb9: {  	s31 =	sshll.u32 s1, $0xD;
	s1 =	sshrl.u32 s1, $0x2  }
0xba: {  	s3 =	sand.u32 $0x4000, s31;
	s1 =	sadd.s32 s1, s30  }
0xbb: {  	s0 =	sor.u32 s3, s0;
	s1 =	sshll.u32 s1, $0x11  }
0xbc: {  	s0 =	sor.u32 s1, s0  }
0xbd: {  	s0 =	sadd.s32 $0x8F2B, s0  }
0xbe: {  	[sflag:s0] =	ssyncadd.remote.s32 $0x1  }
0xbf: {  	_ =	sfence.sel $0xFFFF  }
0xc0: {  	[dreg:$0x0] =	wrdreg $0xFFFFFFFF;
	(pc) =	sbr.abs _section_cstart, $3  }
0xc1: {  	[dreg:$0x1] =	wrdreg $0xFFFFFFFF  }
0xc2: {  	_ =	task.clear_ibuf [dreg:s7], $0x2FFFF;
	_ =	strace $0x9FFFFFFF  }
0xc3: {  	(tm) =	ssettm $0x7FFFFFFF  }
tec
execute0_lowered:
.L_overlay_start_1:
0x0: {  	(tag) =	ssettag $0x1  }
0x1: {  	s0 =	rddreg [dreg:$0x0]  }
0x2: {  	s1 =	srdreg.scid;
	s5 =	rddreg [dreg:$0x1]  }
0x3: {  	s10 =	stileid.u32;
	s2 =	rddreg [dreg:$0x2]  }
0x4: {  	s3 =	simm.s32 $0x0;
	s11 =	simm.s32 $0x880;
	s12 =	simm.s32 $0x100  }
0x5: {  	s13 =	simm.s32 $0x180;
	s15 =	simm.s32 $0x900;
	[smem:$0x7FF] =	sst s3  }
0x6: {  	s17 =	simm.s32 $0x980;
	_ =	strace $0x8000004A;
	[dreg:$0x6] =	wrdreg s11  }
0x7: {  	s19 =	simm.s32 $0x200;
	s21 =	simm.s32 $0x280;
	[dreg:$0x7] =	wrdreg s12  }
0x8: {  	s22 =	simm.s32 $0xA00;
	s23 =	simm.s32 $0xA80;
	[dreg:$0x8] =	wrdreg s13  }
0x9: {  	s24 =	simm.s32 $0x300;
	s25 =	simm.s32 $0x380;
	[dreg:$0x9] =	wrdreg s15  }
0xa: {  	s28 =	simm.s32 $0xD80;
	s6 =	smul.u32 $0x2800, s10;
	[dreg:$0xa] =	wrdreg s17  }
0xb: {  	s29 =	simm.s32 $0x600;
	s8 =	smul.u32 $0x14000, s10;
	[dreg:$0xb] =	wrdreg s19  }
0xc: {  	s1 =	sand.u32 $0x1, s1;
	s10 =	smul.u32 $0x50000, s10;
	[dreg:$0xc] =	wrdreg s21  }
0xd: {  	s30 =	simm.s32 $0x680;
	s4 =	smul.u32 $0x28000, s1;
	[dreg:$0xd] =	wrdreg s22  }
0xe: {  	s31 =	simm.s32 $0xE00;
	s7 =	smul.u32 $0x140000, s1;
	[dreg:$0xe] =	wrdreg s23  }
0xf: {  	s1 =	ssub.s32 $0x2, s1;
	s12 =	simm.s32 $0x1000;
	[dreg:$0xf] =	wrdreg s24  }
0x10: {  	s13 =	simm.s32 $0x3;
	s15 =	simm.s32 $0x80;
	[dreg:$0x10] =	wrdreg s25  }
0x11: {  	s17 =	simm.s32 $0x1;
	s19 =	simm.s32 $0xB80;
	s21 =	simm.s32 $0x480  }
0x12: {  	s22 =	simm.s32 $0xC00;
	s23 =	simm.s32 $0xC80;
	s24 =	simm.s32 $0x500  }
0x13: {  	s25 =	simm.s32 $0x580;
	s26 =	sshrl.u32 s1, $0x1;
	s6 =	sadd.s32 s6, s4  }
0x14: {  	s4 =	sadd.s32 $0x71200, s0;
	s7 =	sadd.s32 s8, s7;
	s1 =	ssub.s32 s1, s26  }
0x15: {  	s8 =	sshrl.u32 s10, $0x2;
	s26 =	simm.s32 $0xB00;
	s6 =	sshrl.u32 s6, $0x3  }
0x16: {  	s7 =	sshrl.u32 s7, $0x3;
	s1 =	smax.u32 s1, $0x1;
	[dreg:$0x11] =	wrdreg s26  }
0x17: {  	s26 =	simm.s32 $0xD00;
	s5 =	sadd.s32 s6, s5;
	[dreg:$0x14] =	wrdreg s1  }
0x18: {  	s9 =	sadd.s32 s6, s0;
	s6 =	sadd.s32 s8, s2;
	[dreg:$0x4] =	wrdreg s5  }
0x19: {  	s0 =	sadd.s32 s7, s0;
	s10 =	sadd.s32 $0x17200, s9;
	[dreg:$0x12] =	wrdreg s6  }
0x1a: {  	s1 =	simm.s32 $0xE80;
	s0 =	sadd.s32 $0xC1200, s0;
	[dreg:$0x5] =	wrdreg s10  }
0x1b: {  	s7 =	simm.s32 $0xF00;
	s14 =	sadd.s32 $0x4000, s6;
	[dreg:$0x13] =	wrdreg s0  }
0x1c: {  	s8 =	simm.s32 $0xF80;
	s16 =	sadd.s32 $0x8000, s6;
	[dreg:$0x15] =	wrdreg s14  }
0x1d: {  	s18 =	sadd.s32 $0xC000, s6;
	s20 =	sadd.s32 $0x10000, s6;
	[dreg:$0x16] =	wrdreg s16  }
0x1e: {  	s6 =	simm.s32 $0x780;
	s9 =	simm.s32 $0x0;
	[dreg:$0x17] =	wrdreg s18  }
0x1f: {  	[dreg:$0x18] =	wrdreg s20;
	s14 =	simm.s32 $0x800;
	s16 =	simm.s32 $0x5000  }
0x20: {  	v0 =	vimm.f32 $0.0e+00;
	s18 =	simm.s32 $0x2;
	s20 =	simm.s32 $0x400;
	s0 =	simm.s32 $0x700  }
.LBB2_1:
0x21: {  	s10 =	simm.s32 $0x0;
	s11 =	simm.s32 $0x200  }
.LBB2_2:
0x22: {  	p0 =	sne.s32 s11, $0xFE00;
	[tilespmem:s10+$0x1070] =	vst v0  }
0x23: {  	[tilespmem:s10+$0x1000] =	vst v0  }
0x24: {  	[tilespmem:s10+$0x1010] =	vst v0  }
.Ltmp0:
0x25: {  	[tilespmem:s10+$0x1020] =	vst v0;
	(pc) =	sbr.rel @p0 .LBB2_2-.Ltmp0, $4  }
0x26: {  	[tilespmem:s10+$0x1030] =	vst v0  }
0x27: {  	[tilespmem:s10+$0x1040] =	vst v0  }
0x28: {  	[tilespmem:s10+$0x1050] =	vst v0  }
0x29: {  	[tilespmem:s10+$0x1060] =	vst v0;
	s10 =	sshra.s32 s11, $0x2;
	s11 =	sadd.s32 $0x200, s11  }
0x2a: {  	[tilespmem:s10+$0x1070] =	vst v0  }
0x2b: {  	[tilespmem:s10+$0x1000] =	vst v0  }
0x2c: {  	[tilespmem:s10+$0x1010] =	vst v0  }
0x2d: {  	[tilespmem:s10+$0x1020] =	vst v0  }
0x2e: {  	[tilespmem:s10+$0x1030] =	vst v0  }
0x2f: {  	[tilespmem:s10+$0x1040] =	vst v0  }
0x30: {  	[dreg:$0x19] =	wrdreg s9;
	[tilespmem:s10+$0x1050] =	vst v0  }
0x31: {  	[tilespmem:s10+$0x1060] =	vst v0;
	s5 =	rddreg [dreg:$0x12]  }
0x32: {  	[spmem:s5] =	stream.linear.scatter [tilespmem:s12], [sflag:$0x3], $0x4000, $0x38;
	[tilespmem:$0x1D000] =	vst v63  }
0x33: {  	_ =	swait.ge [sflag:s13], $0x4000  }
0x34: {  	[sflag:s13] =	ssyncset.done $0x0  }
0x35: {  	s10 =	rddreg [dreg:$0x15];
	[sflag:s13] =	ssyncadd.s32 $0xFFFFC000  }
0x36: {  	[spmem:s10] =	stream.linear.scatter [tilespmem:s12], [sflag:$0x3], $0x4000, $0x38;
	[tilespmem:$0x1D000] =	vst v63  }
0x37: {  	_ =	swait.ge [sflag:s13], $0x4000  }
0x38: {  	[sflag:s13] =	ssyncset.done $0x0  }
0x39: {  	s11 =	rddreg [dreg:$0x16];
	[sflag:s13] =	ssyncadd.s32 $0xFFFFC000  }
0x3a: {  	[spmem:s11] =	stream.linear.scatter [tilespmem:s12], [sflag:$0x3], $0x4000, $0x38;
	[tilespmem:$0x1D000] =	vst v63  }
0x3b: {  	_ =	swait.ge [sflag:s13], $0x4000  }
0x3c: {  	[sflag:s13] =	ssyncset.done $0x0  }
0x3d: {  	s9 =	rddreg [dreg:$0x17];
	[sflag:s13] =	ssyncadd.s32 $0xFFFFC000  }
0x3e: {  	[spmem:s9] =	stream.linear.scatter [tilespmem:s12], [sflag:$0x3], $0x4000, $0x38;
	[tilespmem:$0x1D000] =	vst v63  }
0x3f: {  	_ =	swait.ge [sflag:s13], $0x4000  }
0x40: {  	[sflag:s13] =	ssyncset.done $0x0  }
0x41: {  	s10 =	rddreg [dreg:$0x18];
	[sflag:s13] =	ssyncadd.s32 $0xFFFFC000  }
0x42: {  	[spmem:s10] =	stream.linear.scatter [tilespmem:s12], [sflag:$0x3], $0x4000, $0x38;
	[tilespmem:$0x1D000] =	vst v63  }
0x43: {  	_ =	swait.ge [sflag:s13], $0x4000  }
0x44: {  	[sflag:s13] =	ssyncset.done $0x0  }
0x45: {  	[sflag:s13] =	ssyncadd.s32 $0xFFFFC000  }
0x46: {  	[bflag:$0x0] =	sbarrier.arrive $0xFFFF  }
0x47: {  	s11 =	rddreg [dreg:$0x5]  }
0x48: {  	s5 =	sadd.s32 $0x0, s11  }
0x49: {  	[tilespmem:s3], [sflag:$0x3] =	stream.linear.gather [hbm4b:s5+s3], $0x800, $0x38;
	[tilespmem:$0x1D000] =	vst v63  }
0x4a: {  	_ =	swait.ge [sflag:s13], $0x800  }
0x4b: {  	s9 =	rddreg [dreg:$0x4];
	[sflag:s13] =	ssyncset.done $0x0  }
0x4c: {  	[sflag:s13] =	ssyncadd.s32 $0xFFFFF800;
	s5 =	sadd.s32 $0x0, s9  }
0x4d: {  	[tilespmem:s14], [sflag:$0x3] =	stream.linear.gather [hbm4b:s5+s3], $0x800, $0x38;
	[tilespmem:$0x1D000] =	vst v63  }
0x4e: {  	_ =	swait.ge [sflag:s13], $0x800  }
0x4f: {  	[sflag:s13] =	ssyncset.done $0x0  }
0x50: {  	[sflag:s13] =	ssyncadd.s32 $0xFFFFF800  }
0x51: {  	[tilespmem:s12], [sflag:$0x1] =	stream.indirect.gather [hbm4b:s4+s15], $0x80, s3, s15, $0xb8;
	[tilespmem:$0x1D000] =	vst v63  }
0x52: {  	_ = 	snop  }
0x53: {  	[tilespmem:s16], [sflag:$0x1] =	stream.indirect.gather [hbm4b:s4+s15], $0x80, s15, s15, $0xb8;
	[tilespmem:$0x1D000] =	vst v63  }
0x54: {  	_ =	swait.ge [sflag:s17], $0x4000  }
0x55: {  	[sflag:s17] =	ssyncset.done $0x0  }
0x56: {  	[sflag:s17] =	ssyncadd.s32 $0xFFFFC000  }
0x57: {  	_ =	swait.ge [sflag:s17], $0x4000  }
0x58: {  	[sflag:s17] =	ssyncset.done $0x0  }
0x59: {  	[sflag:s17] =	ssyncadd.s32 $0xFFFFC000  }
0x5a: {  	[spmem:s2] =	stream.indirect.scatter.add.f32 [tilespmem:s12], [sflag:$0x2], $0x80, s14, s15, $0xb8;
	[tilespmem:$0x1D000] =	vst v63  }
0x5b: {  	s10 =	rddreg [dreg:$0x6]  }
0x5c: {  	[spmem:s2] =	stream.indirect.scatter.add.f32 [tilespmem:s16], [sflag:$0x2], $0x80, s10, s15, $0xb8;
	[tilespmem:$0x1D000] =	vst v63  }
0x5d: {  	_ =	swait.ge [sflag:s18], $0x4000  }
0x5e: {  	[sflag:s18] =	ssyncset.done $0x0  }
0x5f: {  	[sflag:s18] =	ssyncadd.s32 $0xFFFFC000  }
0x60: {  	_ =	swait.ge [sflag:s18], $0x4000  }
0x61: {  	[sflag:s18] =	ssyncset.done $0x0  }
0x62: {  	s11 =	rddreg [dreg:$0x7];
	[sflag:s18] =	ssyncadd.s32 $0xFFFFC000  }
0x63: {  	[tilespmem:s12], [sflag:$0x1] =	stream.indirect.gather [hbm4b:s4+s15], $0x80, s11, s15, $0xb8;
	[tilespmem:$0x1D000] =	vst v63  }
0x64: {  	s9 =	rddreg [dreg:$0x8]  }
0x65: {  	[tilespmem:s16], [sflag:$0x1] =	stream.indirect.gather [hbm4b:s4+s15], $0x80, s9, s15, $0xb8;
	[tilespmem:$0x1D000] =	vst v63  }
0x66: {  	_ =	swait.ge [sflag:s17], $0x4000  }
0x67: {  	[sflag:s17] =	ssyncset.done $0x0  }
0x68: {  	[sflag:s17] =	ssyncadd.s32 $0xFFFFC000  }
0x69: {  	_ =	swait.ge [sflag:s17], $0x4000  }
0x6a: {  	[sflag:s17] =	ssyncset.done $0x0  }
0x6b: {  	s11 =	rddreg [dreg:$0x9];
	[sflag:s17] =	ssyncadd.s32 $0xFFFFC000  }
0x6c: {  	[spmem:s2] =	stream.indirect.scatter.add.f32 [tilespmem:s12], [sflag:$0x2], $0x80, s11, s15, $0xb8;
	[tilespmem:$0x1D000] =	vst v63  }
0x6d: {  	s9 =	rddreg [dreg:$0xa]  }
0x6e: {  	[spmem:s2] =	stream.indirect.scatter.add.f32 [tilespmem:s16], [sflag:$0x2], $0x80, s9, s15, $0xb8;
	[tilespmem:$0x1D000] =	vst v63  }
0x6f: {  	_ =	swait.ge [sflag:s18], $0x4000  }
0x70: {  	[sflag:s18] =	ssyncset.done $0x0  }
0x71: {  	[sflag:s18] =	ssyncadd.s32 $0xFFFFC000  }
0x72: {  	_ =	swait.ge [sflag:s18], $0x4000  }
0x73: {  	[sflag:s18] =	ssyncset.done $0x0  }
0x74: {  	s11 =	rddreg [dreg:$0xb];
	[sflag:s18] =	ssyncadd.s32 $0xFFFFC000  }
0x75: {  	[tilespmem:s12], [sflag:$0x1] =	stream.indirect.gather [hbm4b:s4+s15], $0x80, s11, s15, $0xb8;
	[tilespmem:$0x1D000] =	vst v63  }
0x76: {  	s9 =	rddreg [dreg:$0xc]  }
0x77: {  	[tilespmem:s16], [sflag:$0x1] =	stream.indirect.gather [hbm4b:s4+s15], $0x80, s9, s15, $0xb8;
	[tilespmem:$0x1D000] =	vst v63  }
0x78: {  	_ =	swait.ge [sflag:s17], $0x4000  }
0x79: {  	[sflag:s17] =	ssyncset.done $0x0  }
0x7a: {  	[sflag:s17] =	ssyncadd.s32 $0xFFFFC000  }
0x7b: {  	_ =	swait.ge [sflag:s17], $0x4000  }
0x7c: {  	[sflag:s17] =	ssyncset.done $0x0  }
0x7d: {  	s11 =	rddreg [dreg:$0xd];
	[sflag:s17] =	ssyncadd.s32 $0xFFFFC000  }
0x7e: {  	[spmem:s2] =	stream.indirect.scatter.add.f32 [tilespmem:s12], [sflag:$0x2], $0x80, s11, s15, $0xb8;
	[tilespmem:$0x1D000] =	vst v63  }
0x7f: {  	s9 =	rddreg [dreg:$0xe]  }
0x80: {  	[spmem:s2] =	stream.indirect.scatter.add.f32 [tilespmem:s16], [sflag:$0x2], $0x80, s9, s15, $0xb8;
	[tilespmem:$0x1D000] =	vst v63  }
0x81: {  	_ =	swait.ge [sflag:s18], $0x4000  }
0x82: {  	[sflag:s18] =	ssyncset.done $0x0  }
0x83: {  	[sflag:s18] =	ssyncadd.s32 $0xFFFFC000  }
0x84: {  	_ =	swait.ge [sflag:s18], $0x4000  }
0x85: {  	[sflag:s18] =	ssyncset.done $0x0  }
0x86: {  	s11 =	rddreg [dreg:$0xf];
	[sflag:s18] =	ssyncadd.s32 $0xFFFFC000  }
0x87: {  	[tilespmem:s12], [sflag:$0x1] =	stream.indirect.gather [hbm4b:s4+s15], $0x80, s11, s15, $0xb8;
	[tilespmem:$0x1D000] =	vst v63  }
0x88: {  	s9 =	rddreg [dreg:$0x10]  }
0x89: {  	[tilespmem:s16], [sflag:$0x1] =	stream.indirect.gather [hbm4b:s4+s15], $0x80, s9, s15, $0xb8;
	[tilespmem:$0x1D000] =	vst v63  }
0x8a: {  	_ =	swait.ge [sflag:s17], $0x4000  }
0x8b: {  	[sflag:s17] =	ssyncset.done $0x0  }
0x8c: {  	[sflag:s17] =	ssyncadd.s32 $0xFFFFC000  }
0x8d: {  	_ =	swait.ge [sflag:s17], $0x4000  }
0x8e: {  	[sflag:s17] =	ssyncset.done $0x0  }
0x8f: {  	s11 =	rddreg [dreg:$0x11];
	[sflag:s17] =	ssyncadd.s32 $0xFFFFC000  }
0x90: {  	[spmem:s2] =	stream.indirect.scatter.add.f32 [tilespmem:s12], [sflag:$0x2], $0x80, s11, s15, $0xb8;
	[tilespmem:$0x1D000] =	vst v63  }
0x91: {  	_ = 	snop  }
0x92: {  	[spmem:s2] =	stream.indirect.scatter.add.f32 [tilespmem:s16], [sflag:$0x2], $0x80, s19, s15, $0xb8;
	[tilespmem:$0x1D000] =	vst v63  }
0x93: {  	_ =	swait.ge [sflag:s18], $0x4000  }
0x94: {  	[sflag:s18] =	ssyncset.done $0x0  }
0x95: {  	[sflag:s18] =	ssyncadd.s32 $0xFFFFC000  }
0x96: {  	_ =	swait.ge [sflag:s18], $0x4000  }
0x97: {  	[sflag:s18] =	ssyncset.done $0x0  }
0x98: {  	[sflag:s18] =	ssyncadd.s32 $0xFFFFC000  }
0x99: {  	[tilespmem:s12], [sflag:$0x1] =	stream.indirect.gather [hbm4b:s4+s15], $0x80, s20, s15, $0xb8;
	[tilespmem:$0x1D000] =	vst v63  }
0x9a: {  	_ = 	snop  }
0x9b: {  	[tilespmem:s16], [sflag:$0x1] =	stream.indirect.gather [hbm4b:s4+s15], $0x80, s21, s15, $0xb8;
	[tilespmem:$0x1D000] =	vst v63  }
0x9c: {  	_ =	swait.ge [sflag:s17], $0x4000  }
0x9d: {  	[sflag:s17] =	ssyncset.done $0x0  }
0x9e: {  	[sflag:s17] =	ssyncadd.s32 $0xFFFFC000  }
0x9f: {  	_ =	swait.ge [sflag:s17], $0x4000  }
0xa0: {  	[sflag:s17] =	ssyncset.done $0x0  }
0xa1: {  	[sflag:s17] =	ssyncadd.s32 $0xFFFFC000  }
0xa2: {  	[spmem:s2] =	stream.indirect.scatter.add.f32 [tilespmem:s12], [sflag:$0x2], $0x80, s22, s15, $0xb8;
	[tilespmem:$0x1D000] =	vst v63  }
0xa3: {  	_ = 	snop  }
0xa4: {  	[spmem:s2] =	stream.indirect.scatter.add.f32 [tilespmem:s16], [sflag:$0x2], $0x80, s23, s15, $0xb8;
	[tilespmem:$0x1D000] =	vst v63  }
0xa5: {  	_ =	swait.ge [sflag:s18], $0x4000  }
0xa6: {  	[sflag:s18] =	ssyncset.done $0x0  }
0xa7: {  	[sflag:s18] =	ssyncadd.s32 $0xFFFFC000  }
0xa8: {  	_ =	swait.ge [sflag:s18], $0x4000  }
0xa9: {  	[sflag:s18] =	ssyncset.done $0x0  }
0xaa: {  	[sflag:s18] =	ssyncadd.s32 $0xFFFFC000  }
0xab: {  	[tilespmem:s12], [sflag:$0x1] =	stream.indirect.gather [hbm4b:s4+s15], $0x80, s24, s15, $0xb8;
	[tilespmem:$0x1D000] =	vst v63  }
0xac: {  	_ = 	snop  }
0xad: {  	[tilespmem:s16], [sflag:$0x1] =	stream.indirect.gather [hbm4b:s4+s15], $0x80, s25, s15, $0xb8;
	[tilespmem:$0x1D000] =	vst v63  }
0xae: {  	_ =	swait.ge [sflag:s17], $0x4000  }
0xaf: {  	[sflag:s17] =	ssyncset.done $0x0  }
0xb0: {  	[sflag:s17] =	ssyncadd.s32 $0xFFFFC000  }
0xb1: {  	_ =	swait.ge [sflag:s17], $0x4000  }
0xb2: {  	[sflag:s17] =	ssyncset.done $0x0  }
0xb3: {  	[sflag:s17] =	ssyncadd.s32 $0xFFFFC000  }
0xb4: {  	[spmem:s2] =	stream.indirect.scatter.add.f32 [tilespmem:s12], [sflag:$0x2], $0x80, s26, s15, $0xb8;
	[tilespmem:$0x1D000] =	vst v63  }
0xb5: {  	_ = 	snop  }
0xb6: {  	[spmem:s2] =	stream.indirect.scatter.add.f32 [tilespmem:s16], [sflag:$0x2], $0x80, s28, s15, $0xb8;
	[tilespmem:$0x1D000] =	vst v63  }
0xb7: {  	_ =	swait.ge [sflag:s18], $0x4000  }
0xb8: {  	[sflag:s18] =	ssyncset.done $0x0  }
0xb9: {  	[sflag:s18] =	ssyncadd.s32 $0xFFFFC000  }
0xba: {  	_ =	swait.ge [sflag:s18], $0x4000  }
0xbb: {  	[sflag:s18] =	ssyncset.done $0x0  }
0xbc: {  	[sflag:s18] =	ssyncadd.s32 $0xFFFFC000  }
0xbd: {  	[tilespmem:s12], [sflag:$0x1] =	stream.indirect.gather [hbm4b:s4+s15], $0x80, s29, s15, $0xb8;
	[tilespmem:$0x1D000] =	vst v63  }
0xbe: {  	_ = 	snop  }
0xbf: {  	[tilespmem:s16], [sflag:$0x1] =	stream.indirect.gather [hbm4b:s4+s15], $0x80, s30, s15, $0xb8;
	[tilespmem:$0x1D000] =	vst v63  }
0xc0: {  	_ =	swait.ge [sflag:s17], $0x4000  }
0xc1: {  	[sflag:s17] =	ssyncset.done $0x0  }
0xc2: {  	[sflag:s17] =	ssyncadd.s32 $0xFFFFC000  }
0xc3: {  	_ =	swait.ge [sflag:s17], $0x4000  }
0xc4: {  	[sflag:s17] =	ssyncset.done $0x0  }
0xc5: {  	[sflag:s17] =	ssyncadd.s32 $0xFFFFC000  }
0xc6: {  	[spmem:s2] =	stream.indirect.scatter.add.f32 [tilespmem:s12], [sflag:$0x2], $0x80, s31, s15, $0xb8;
	[tilespmem:$0x1D000] =	vst v63  }
0xc7: {  	_ = 	snop  }
0xc8: {  	[spmem:s2] =	stream.indirect.scatter.add.f32 [tilespmem:s16], [sflag:$0x2], $0x80, s1, s15, $0xb8;
	[tilespmem:$0x1D000] =	vst v63  }
0xc9: {  	_ =	swait.ge [sflag:s18], $0x4000  }
0xca: {  	[sflag:s18] =	ssyncset.done $0x0  }
0xcb: {  	[sflag:s18] =	ssyncadd.s32 $0xFFFFC000  }
0xcc: {  	_ =	swait.ge [sflag:s18], $0x4000  }
0xcd: {  	[sflag:s18] =	ssyncset.done $0x0  }
0xce: {  	[sflag:s18] =	ssyncadd.s32 $0xFFFFC000  }
0xcf: {  	[tilespmem:s12], [sflag:$0x1] =	stream.indirect.gather [hbm4b:s4+s15], $0x80, s0, s15, $0xb8;
	[tilespmem:$0x1D000] =	vst v63  }
0xd0: {  	_ = 	snop  }
0xd1: {  	[tilespmem:s16], [sflag:$0x1] =	stream.indirect.gather [hbm4b:s4+s15], $0x80, s6, s15, $0xb8;
	[tilespmem:$0x1D000] =	vst v63  }
0xd2: {  	_ =	swait.ge [sflag:s17], $0x4000  }
0xd3: {  	[sflag:s17] =	ssyncset.done $0x0  }
0xd4: {  	[sflag:s17] =	ssyncadd.s32 $0xFFFFC000  }
0xd5: {  	_ =	swait.ge [sflag:s17], $0x4000  }
0xd6: {  	[sflag:s17] =	ssyncset.done $0x0  }
0xd7: {  	[sflag:s17] =	ssyncadd.s32 $0xFFFFC000  }
0xd8: {  	[spmem:s2] =	stream.indirect.scatter.add.f32 [tilespmem:s12], [sflag:$0x2], $0x80, s7, s15, $0xb8;
	[tilespmem:$0x1D000] =	vst v63  }
0xd9: {  	_ = 	snop  }
0xda: {  	[spmem:s2] =	stream.indirect.scatter.add.f32 [tilespmem:s16], [sflag:$0x2], $0x80, s8, s15, $0xb8;
	[tilespmem:$0x1D000] =	vst v63  }
0xdb: {  	_ =	swait.ge [sflag:s18], $0x4000  }
0xdc: {  	[sflag:s18] =	ssyncset.done $0x0  }
0xdd: {  	[sflag:s18] =	ssyncadd.s32 $0xFFFFC000  }
0xde: {  	s10 =	simm.s32 $0x100;
	_ =	swait.ge [sflag:s18], $0x4000  }
0xdf: {  	s11 =	simm.s32 $0x200;
	s5 =	rddreg [dreg:$0x5];
	[sflag:s18] =	ssyncset.done $0x0  }
.LBB2_4:
0xe0: {  	[sflag:s18] =	ssyncadd.s32 $0xFFFFC000;
	s5 =	sadd.s32 s10, s5  }
0xe1: {  	[tilespmem:s3], [sflag:$0x3] =	stream.linear.gather [hbm4b:s5+s3], $0x800, $0x38;
	[tilespmem:$0x1D000] =	vst v63  }
0xe2: {  	_ =	swait.ge [sflag:s13], $0x800  }
0xe3: {  	s5 =	rddreg [dreg:$0x4];
	[sflag:s13] =	ssyncset.done $0x0  }
0xe4: {  	[sflag:s13] =	ssyncadd.s32 $0xFFFFF800;
	s5 =	sadd.s32 s10, s5  }
0xe5: {  	[tilespmem:s14], [sflag:$0x3] =	stream.linear.gather [hbm4b:s5+s3], $0x800, $0x38;
	[tilespmem:$0x1D000] =	vst v63  }
0xe6: {  	_ =	swait.ge [sflag:s13], $0x800  }
0xe7: {  	[sflag:s13] =	ssyncset.done $0x0  }
0xe8: {  	[sflag:s13] =	ssyncadd.s32 $0xFFFFF800  }
0xe9: {  	[tilespmem:s12], [sflag:$0x1] =	stream.indirect.gather [hbm4b:s4+s15], $0x80, s3, s15, $0xb8;
	[tilespmem:$0x1D000] =	vst v63  }
0xea: {  	_ = 	snop  }
0xeb: {  	[tilespmem:s16], [sflag:$0x1] =	stream.indirect.gather [hbm4b:s4+s15], $0x80, s15, s15, $0xb8;
	[tilespmem:$0x1D000] =	vst v63  }
0xec: {  	_ =	swait.ge [sflag:s17], $0x4000  }
0xed: {  	[sflag:s17] =	ssyncset.done $0x0  }
0xee: {  	[sflag:s17] =	ssyncadd.s32 $0xFFFFC000  }
0xef: {  	_ =	swait.ge [sflag:s17], $0x4000  }
0xf0: {  	[sflag:s17] =	ssyncset.done $0x0  }
0xf1: {  	s9 =	smov.u32 s11;
	[sflag:s17] =	ssyncadd.s32 $0xFFFFC000  }
0xf2: {  	[spmem:s2] =	stream.indirect.scatter.add.f32 [tilespmem:s12], [sflag:$0x2], $0x80, s14, s15, $0xb8;
	[tilespmem:$0x1D000] =	vst v63  }
0xf3: {  	s10 =	smov.u32 s9;
	s9 =	rddreg [dreg:$0x6]  }
0xf4: {  	[spmem:s2] =	stream.indirect.scatter.add.f32 [tilespmem:s16], [sflag:$0x2], $0x80, s9, s15, $0xb8;
	[tilespmem:$0x1D000] =	vst v63  }
0xf5: {  	_ =	swait.ge [sflag:s18], $0x4000  }
0xf6: {  	[sflag:s18] =	ssyncset.done $0x0  }
0xf7: {  	[sflag:s18] =	ssyncadd.s32 $0xFFFFC000  }
0xf8: {  	_ =	swait.ge [sflag:s18], $0x4000  }
0xf9: {  	[sflag:s18] =	ssyncset.done $0x0  }
0xfa: {  	s5 =	rddreg [dreg:$0x7];
	[sflag:s18] =	ssyncadd.s32 $0xFFFFC000  }
0xfb: {  	[tilespmem:s12], [sflag:$0x1] =	stream.indirect.gather [hbm4b:s4+s15], $0x80, s5, s15, $0xb8;
	[tilespmem:$0x1D000] =	vst v63  }
0xfc: {  	s9 =	rddreg [dreg:$0x8]  }
0xfd: {  	[tilespmem:s16], [sflag:$0x1] =	stream.indirect.gather [hbm4b:s4+s15], $0x80, s9, s15, $0xb8;
	[tilespmem:$0x1D000] =	vst v63  }
0xfe: {  	_ =	swait.ge [sflag:s17], $0x4000  }
0xff: {  	[sflag:s17] =	ssyncset.done $0x0  }
0x100: {  	[sflag:s17] =	ssyncadd.s32 $0xFFFFC000  }
0x101: {  	_ =	swait.ge [sflag:s17], $0x4000  }
0x102: {  	[sflag:s17] =	ssyncset.done $0x0  }
0x103: {  	s5 =	rddreg [dreg:$0x9];
	[sflag:s17] =	ssyncadd.s32 $0xFFFFC000  }
0x104: {  	[spmem:s2] =	stream.indirect.scatter.add.f32 [tilespmem:s12], [sflag:$0x2], $0x80, s5, s15, $0xb8;
	[tilespmem:$0x1D000] =	vst v63  }
0x105: {  	s9 =	rddreg [dreg:$0xa]  }
0x106: {  	[spmem:s2] =	stream.indirect.scatter.add.f32 [tilespmem:s16], [sflag:$0x2], $0x80, s9, s15, $0xb8;
	[tilespmem:$0x1D000] =	vst v63  }
0x107: {  	_ =	swait.ge [sflag:s18], $0x4000  }
0x108: {  	[sflag:s18] =	ssyncset.done $0x0  }
0x109: {  	[sflag:s18] =	ssyncadd.s32 $0xFFFFC000  }
0x10a: {  	_ =	swait.ge [sflag:s18], $0x4000  }
0x10b: {  	[sflag:s18] =	ssyncset.done $0x0  }
0x10c: {  	s5 =	rddreg [dreg:$0xb];
	[sflag:s18] =	ssyncadd.s32 $0xFFFFC000  }
0x10d: {  	[tilespmem:s12], [sflag:$0x1] =	stream.indirect.gather [hbm4b:s4+s15], $0x80, s5, s15, $0xb8;
	[tilespmem:$0x1D000] =	vst v63  }
0x10e: {  	s9 =	rddreg [dreg:$0xc]  }
0x10f: {  	[tilespmem:s16], [sflag:$0x1] =	stream.indirect.gather [hbm4b:s4+s15], $0x80, s9, s15, $0xb8;
	[tilespmem:$0x1D000] =	vst v63  }
0x110: {  	_ =	swait.ge [sflag:s17], $0x4000  }
0x111: {  	[sflag:s17] =	ssyncset.done $0x0  }
0x112: {  	[sflag:s17] =	ssyncadd.s32 $0xFFFFC000  }
0x113: {  	_ =	swait.ge [sflag:s17], $0x4000  }
0x114: {  	[sflag:s17] =	ssyncset.done $0x0  }
0x115: {  	s5 =	rddreg [dreg:$0xd];
	[sflag:s17] =	ssyncadd.s32 $0xFFFFC000  }
0x116: {  	[spmem:s2] =	stream.indirect.scatter.add.f32 [tilespmem:s12], [sflag:$0x2], $0x80, s5, s15, $0xb8;
	[tilespmem:$0x1D000] =	vst v63  }
0x117: {  	s9 =	rddreg [dreg:$0xe]  }
0x118: {  	[spmem:s2] =	stream.indirect.scatter.add.f32 [tilespmem:s16], [sflag:$0x2], $0x80, s9, s15, $0xb8;
	[tilespmem:$0x1D000] =	vst v63  }
0x119: {  	_ =	swait.ge [sflag:s18], $0x4000  }
0x11a: {  	[sflag:s18] =	ssyncset.done $0x0  }
0x11b: {  	[sflag:s18] =	ssyncadd.s32 $0xFFFFC000  }
0x11c: {  	_ =	swait.ge [sflag:s18], $0x4000  }
0x11d: {  	[sflag:s18] =	ssyncset.done $0x0  }
0x11e: {  	s5 =	rddreg [dreg:$0xf];
	[sflag:s18] =	ssyncadd.s32 $0xFFFFC000  }
0x11f: {  	[tilespmem:s12], [sflag:$0x1] =	stream.indirect.gather [hbm4b:s4+s15], $0x80, s5, s15, $0xb8;
	[tilespmem:$0x1D000] =	vst v63  }
0x120: {  	s9 =	rddreg [dreg:$0x10]  }
0x121: {  	[tilespmem:s16], [sflag:$0x1] =	stream.indirect.gather [hbm4b:s4+s15], $0x80, s9, s15, $0xb8;
	[tilespmem:$0x1D000] =	vst v63  }
0x122: {  	_ =	swait.ge [sflag:s17], $0x4000  }
0x123: {  	[sflag:s17] =	ssyncset.done $0x0  }
0x124: {  	[sflag:s17] =	ssyncadd.s32 $0xFFFFC000  }
0x125: {  	_ =	swait.ge [sflag:s17], $0x4000  }
0x126: {  	[sflag:s17] =	ssyncset.done $0x0  }
0x127: {  	s9 =	rddreg [dreg:$0x11];
	[sflag:s17] =	ssyncadd.s32 $0xFFFFC000  }
0x128: {  	[spmem:s2] =	stream.indirect.scatter.add.f32 [tilespmem:s12], [sflag:$0x2], $0x80, s9, s15, $0xb8;
	[tilespmem:$0x1D000] =	vst v63  }
0x129: {  	_ = 	snop  }
0x12a: {  	[spmem:s2] =	stream.indirect.scatter.add.f32 [tilespmem:s16], [sflag:$0x2], $0x80, s19, s15, $0xb8;
	[tilespmem:$0x1D000] =	vst v63  }
0x12b: {  	_ =	swait.ge [sflag:s18], $0x4000  }
0x12c: {  	[sflag:s18] =	ssyncset.done $0x0  }
0x12d: {  	[sflag:s18] =	ssyncadd.s32 $0xFFFFC000  }
0x12e: {  	_ =	swait.ge [sflag:s18], $0x4000  }
0x12f: {  	[sflag:s18] =	ssyncset.done $0x0  }
0x130: {  	[sflag:s18] =	ssyncadd.s32 $0xFFFFC000  }
0x131: {  	[tilespmem:s12], [sflag:$0x1] =	stream.indirect.gather [hbm4b:s4+s15], $0x80, s20, s15, $0xb8;
	[tilespmem:$0x1D000] =	vst v63  }
0x132: {  	_ = 	snop  }
0x133: {  	[tilespmem:s16], [sflag:$0x1] =	stream.indirect.gather [hbm4b:s4+s15], $0x80, s21, s15, $0xb8;
	[tilespmem:$0x1D000] =	vst v63  }
0x134: {  	_ =	swait.ge [sflag:s17], $0x4000  }
0x135: {  	[sflag:s17] =	ssyncset.done $0x0  }
0x136: {  	[sflag:s17] =	ssyncadd.s32 $0xFFFFC000  }
0x137: {  	_ =	swait.ge [sflag:s17], $0x4000  }
0x138: {  	[sflag:s17] =	ssyncset.done $0x0  }
0x139: {  	[sflag:s17] =	ssyncadd.s32 $0xFFFFC000  }
0x13a: {  	[spmem:s2] =	stream.indirect.scatter.add.f32 [tilespmem:s12], [sflag:$0x2], $0x80, s22, s15, $0xb8;
	[tilespmem:$0x1D000] =	vst v63  }
0x13b: {  	_ = 	snop  }
0x13c: {  	[spmem:s2] =	stream.indirect.scatter.add.f32 [tilespmem:s16], [sflag:$0x2], $0x80, s23, s15, $0xb8;
	[tilespmem:$0x1D000] =	vst v63  }
0x13d: {  	_ =	swait.ge [sflag:s18], $0x4000  }
0x13e: {  	[sflag:s18] =	ssyncset.done $0x0  }
0x13f: {  	[sflag:s18] =	ssyncadd.s32 $0xFFFFC000  }
0x140: {  	_ =	swait.ge [sflag:s18], $0x4000  }
0x141: {  	[sflag:s18] =	ssyncset.done $0x0  }
0x142: {  	[sflag:s18] =	ssyncadd.s32 $0xFFFFC000  }
0x143: {  	[tilespmem:s12], [sflag:$0x1] =	stream.indirect.gather [hbm4b:s4+s15], $0x80, s24, s15, $0xb8;
	[tilespmem:$0x1D000] =	vst v63  }
0x144: {  	_ = 	snop  }
0x145: {  	[tilespmem:s16], [sflag:$0x1] =	stream.indirect.gather [hbm4b:s4+s15], $0x80, s25, s15, $0xb8;
	[tilespmem:$0x1D000] =	vst v63  }
0x146: {  	_ =	swait.ge [sflag:s17], $0x4000  }
0x147: {  	[sflag:s17] =	ssyncset.done $0x0  }
0x148: {  	[sflag:s17] =	ssyncadd.s32 $0xFFFFC000  }
0x149: {  	_ =	swait.ge [sflag:s17], $0x4000  }
0x14a: {  	[sflag:s17] =	ssyncset.done $0x0  }
0x14b: {  	[sflag:s17] =	ssyncadd.s32 $0xFFFFC000  }
0x14c: {  	[spmem:s2] =	stream.indirect.scatter.add.f32 [tilespmem:s12], [sflag:$0x2], $0x80, s26, s15, $0xb8;
	[tilespmem:$0x1D000] =	vst v63  }
0x14d: {  	_ = 	snop  }
0x14e: {  	[spmem:s2] =	stream.indirect.scatter.add.f32 [tilespmem:s16], [sflag:$0x2], $0x80, s28, s15, $0xb8;
	[tilespmem:$0x1D000] =	vst v63  }
0x14f: {  	_ =	swait.ge [sflag:s18], $0x4000  }
0x150: {  	[sflag:s18] =	ssyncset.done $0x0  }
0x151: {  	[sflag:s18] =	ssyncadd.s32 $0xFFFFC000  }
0x152: {  	_ =	swait.ge [sflag:s18], $0x4000  }
0x153: {  	[sflag:s18] =	ssyncset.done $0x0  }
0x154: {  	[sflag:s18] =	ssyncadd.s32 $0xFFFFC000  }
0x155: {  	[tilespmem:s12], [sflag:$0x1] =	stream.indirect.gather [hbm4b:s4+s15], $0x80, s29, s15, $0xb8;
	[tilespmem:$0x1D000] =	vst v63  }
0x156: {  	_ = 	snop  }
0x157: {  	[tilespmem:s16], [sflag:$0x1] =	stream.indirect.gather [hbm4b:s4+s15], $0x80, s30, s15, $0xb8;
	[tilespmem:$0x1D000] =	vst v63  }
0x158: {  	_ =	swait.ge [sflag:s17], $0x4000  }
0x159: {  	[sflag:s17] =	ssyncset.done $0x0  }
0x15a: {  	[sflag:s17] =	ssyncadd.s32 $0xFFFFC000  }
0x15b: {  	_ =	swait.ge [sflag:s17], $0x4000  }
0x15c: {  	[sflag:s17] =	ssyncset.done $0x0  }
0x15d: {  	[sflag:s17] =	ssyncadd.s32 $0xFFFFC000  }
0x15e: {  	[spmem:s2] =	stream.indirect.scatter.add.f32 [tilespmem:s12], [sflag:$0x2], $0x80, s31, s15, $0xb8;
	[tilespmem:$0x1D000] =	vst v63  }
0x15f: {  	_ = 	snop  }
0x160: {  	[spmem:s2] =	stream.indirect.scatter.add.f32 [tilespmem:s16], [sflag:$0x2], $0x80, s1, s15, $0xb8;
	[tilespmem:$0x1D000] =	vst v63  }
0x161: {  	_ =	swait.ge [sflag:s18], $0x4000  }
0x162: {  	[sflag:s18] =	ssyncset.done $0x0  }
0x163: {  	[sflag:s18] =	ssyncadd.s32 $0xFFFFC000  }
0x164: {  	_ =	swait.ge [sflag:s18], $0x4000  }
0x165: {  	[sflag:s18] =	ssyncset.done $0x0  }
0x166: {  	[sflag:s18] =	ssyncadd.s32 $0xFFFFC000  }
0x167: {  	[tilespmem:s12], [sflag:$0x1] =	stream.indirect.gather [hbm4b:s4+s15], $0x80, s0, s15, $0xb8;
	[tilespmem:$0x1D000] =	vst v63  }
0x168: {  	_ = 	snop  }
0x169: {  	[tilespmem:s16], [sflag:$0x1] =	stream.indirect.gather [hbm4b:s4+s15], $0x80, s6, s15, $0xb8;
	[tilespmem:$0x1D000] =	vst v63  }
0x16a: {  	_ =	swait.ge [sflag:s17], $0x4000  }
0x16b: {  	[sflag:s17] =	ssyncset.done $0x0  }
0x16c: {  	[sflag:s17] =	ssyncadd.s32 $0xFFFFC000  }
0x16d: {  	_ =	swait.ge [sflag:s17], $0x4000  }
0x16e: {  	[sflag:s17] =	ssyncset.done $0x0  }
0x16f: {  	[sflag:s17] =	ssyncadd.s32 $0xFFFFC000  }
0x170: {  	[spmem:s2] =	stream.indirect.scatter.add.f32 [tilespmem:s12], [sflag:$0x2], $0x80, s7, s15, $0xb8;
	[tilespmem:$0x1D000] =	vst v63  }
0x171: {  	p0 =	sne.s32 s11, $0x400  }
0x172: {  	[spmem:s2] =	stream.indirect.scatter.add.f32 [tilespmem:s16], [sflag:$0x2], $0x80, s8, s15, $0xb8;
	[tilespmem:$0x1D000] =	vst v63  }
.Ltmp1:
0x173: {  	_ =	swait.ge [sflag:s18], $0x4000;
	(pc) =	sbr.rel @p0 .LBB2_4-.Ltmp1, $4  }
0x174: {  	[sflag:s18] =	ssyncset.done $0x0  }
0x175: {  	[sflag:s18] =	ssyncadd.s32 $0xFFFFC000  }
0x176: {  	_ =	swait.ge [sflag:s18], $0x4000  }
0x177: {  	s11 =	sadd.s32 $0x100, s11;
	s5 =	rddreg [dreg:$0x5];
	[sflag:s18] =	ssyncset.done $0x0  }
0x178: {  	[sflag:s18] =	ssyncadd.s32 $0xFFFFC000;
	s5 =	sadd.s32 s10, s5  }
0x179: {  	[tilespmem:s3], [sflag:$0x3] =	stream.linear.gather [hbm4b:s5+s3], $0x800, $0x38;
	[tilespmem:$0x1D000] =	vst v63  }
0x17a: {  	_ =	swait.ge [sflag:s13], $0x800  }
0x17b: {  	s9 =	rddreg [dreg:$0x4];
	[sflag:s13] =	ssyncset.done $0x0  }
0x17c: {  	[sflag:s13] =	ssyncadd.s32 $0xFFFFF800;
	s5 =	sadd.s32 s10, s9  }
0x17d: {  	[tilespmem:s14], [sflag:$0x3] =	stream.linear.gather [hbm4b:s5+s3], $0x800, $0x38;
	[tilespmem:$0x1D000] =	vst v63  }
0x17e: {  	_ =	swait.ge [sflag:s13], $0x800  }
0x17f: {  	[sflag:s13] =	ssyncset.done $0x0  }
0x180: {  	[sflag:s13] =	ssyncadd.s32 $0xFFFFF800  }
0x181: {  	[tilespmem:s12], [sflag:$0x1] =	stream.indirect.gather [hbm4b:s4+s15], $0x80, s3, s15, $0xb8;
	[tilespmem:$0x1D000] =	vst v63  }
0x182: {  	_ = 	snop  }
0x183: {  	[tilespmem:s16], [sflag:$0x1] =	stream.indirect.gather [hbm4b:s4+s15], $0x80, s15, s15, $0xb8;
	[tilespmem:$0x1D000] =	vst v63  }
0x184: {  	_ =	swait.ge [sflag:s17], $0x4000  }
0x185: {  	[sflag:s17] =	ssyncset.done $0x0  }
0x186: {  	[sflag:s17] =	ssyncadd.s32 $0xFFFFC000  }
0x187: {  	_ =	swait.ge [sflag:s17], $0x4000  }
0x188: {  	[sflag:s17] =	ssyncset.done $0x0  }
0x189: {  	[sflag:s17] =	ssyncadd.s32 $0xFFFFC000  }
0x18a: {  	[spmem:s2] =	stream.indirect.scatter.add.f32 [tilespmem:s12], [sflag:$0x2], $0x80, s14, s15, $0xb8;
	[tilespmem:$0x1D000] =	vst v63  }
0x18b: {  	s10 =	rddreg [dreg:$0x6]  }
0x18c: {  	[spmem:s2] =	stream.indirect.scatter.add.f32 [tilespmem:s16], [sflag:$0x2], $0x80, s10, s15, $0xb8;
	[tilespmem:$0x1D000] =	vst v63  }
0x18d: {  	_ =	swait.ge [sflag:s18], $0x4000  }
0x18e: {  	[sflag:s18] =	ssyncset.done $0x0  }
0x18f: {  	[sflag:s18] =	ssyncadd.s32 $0xFFFFC000  }
0x190: {  	_ =	swait.ge [sflag:s18], $0x4000  }
0x191: {  	[sflag:s18] =	ssyncset.done $0x0  }
0x192: {  	s11 =	rddreg [dreg:$0x7];
	[sflag:s18] =	ssyncadd.s32 $0xFFFFC000  }
0x193: {  	[tilespmem:s12], [sflag:$0x1] =	stream.indirect.gather [hbm4b:s4+s15], $0x80, s11, s15, $0xb8;
	[tilespmem:$0x1D000] =	vst v63  }
0x194: {  	s9 =	rddreg [dreg:$0x8]  }
0x195: {  	[tilespmem:s16], [sflag:$0x1] =	stream.indirect.gather [hbm4b:s4+s15], $0x80, s9, s15, $0xb8;
	[tilespmem:$0x1D000] =	vst v63  }
0x196: {  	_ =	swait.ge [sflag:s17], $0x4000  }
0x197: {  	[sflag:s17] =	ssyncset.done $0x0  }
0x198: {  	[sflag:s17] =	ssyncadd.s32 $0xFFFFC000  }
0x199: {  	_ =	swait.ge [sflag:s17], $0x4000  }
0x19a: {  	[sflag:s17] =	ssyncset.done $0x0  }
0x19b: {  	s10 =	rddreg [dreg:$0x9];
	[sflag:s17] =	ssyncadd.s32 $0xFFFFC000  }
0x19c: {  	[spmem:s2] =	stream.indirect.scatter.add.f32 [tilespmem:s12], [sflag:$0x2], $0x80, s10, s15, $0xb8;
	[tilespmem:$0x1D000] =	vst v63  }
0x19d: {  	s11 =	rddreg [dreg:$0xa]  }
0x19e: {  	[spmem:s2] =	stream.indirect.scatter.add.f32 [tilespmem:s16], [sflag:$0x2], $0x80, s11, s15, $0xb8;
	[tilespmem:$0x1D000] =	vst v63  }
0x19f: {  	_ =	swait.ge [sflag:s18], $0x4000  }
0x1a0: {  	[sflag:s18] =	ssyncset.done $0x0  }
0x1a1: {  	[sflag:s18] =	ssyncadd.s32 $0xFFFFC000  }
0x1a2: {  	_ =	swait.ge [sflag:s18], $0x4000  }
0x1a3: {  	[sflag:s18] =	ssyncset.done $0x0  }
0x1a4: {  	s10 =	rddreg [dreg:$0xb];
	[sflag:s18] =	ssyncadd.s32 $0xFFFFC000  }
0x1a5: {  	[tilespmem:s12], [sflag:$0x1] =	stream.indirect.gather [hbm4b:s4+s15], $0x80, s10, s15, $0xb8;
	[tilespmem:$0x1D000] =	vst v63  }
0x1a6: {  	s11 =	rddreg [dreg:$0xc]  }
0x1a7: {  	[tilespmem:s16], [sflag:$0x1] =	stream.indirect.gather [hbm4b:s4+s15], $0x80, s11, s15, $0xb8;
	[tilespmem:$0x1D000] =	vst v63  }
0x1a8: {  	_ =	swait.ge [sflag:s17], $0x4000  }
0x1a9: {  	[sflag:s17] =	ssyncset.done $0x0  }
0x1aa: {  	[sflag:s17] =	ssyncadd.s32 $0xFFFFC000  }
0x1ab: {  	_ =	swait.ge [sflag:s17], $0x4000  }
0x1ac: {  	[sflag:s17] =	ssyncset.done $0x0  }
0x1ad: {  	s10 =	rddreg [dreg:$0xd];
	[sflag:s17] =	ssyncadd.s32 $0xFFFFC000  }
0x1ae: {  	[spmem:s2] =	stream.indirect.scatter.add.f32 [tilespmem:s12], [sflag:$0x2], $0x80, s10, s15, $0xb8;
	[tilespmem:$0x1D000] =	vst v63  }
0x1af: {  	s11 =	rddreg [dreg:$0xe]  }
0x1b0: {  	[spmem:s2] =	stream.indirect.scatter.add.f32 [tilespmem:s16], [sflag:$0x2], $0x80, s11, s15, $0xb8;
	[tilespmem:$0x1D000] =	vst v63  }
0x1b1: {  	_ =	swait.ge [sflag:s18], $0x4000  }
0x1b2: {  	[sflag:s18] =	ssyncset.done $0x0  }
0x1b3: {  	[sflag:s18] =	ssyncadd.s32 $0xFFFFC000  }
0x1b4: {  	_ =	swait.ge [sflag:s18], $0x4000  }
0x1b5: {  	[sflag:s18] =	ssyncset.done $0x0  }
0x1b6: {  	s9 =	rddreg [dreg:$0xf];
	[sflag:s18] =	ssyncadd.s32 $0xFFFFC000  }
0x1b7: {  	[tilespmem:s12], [sflag:$0x1] =	stream.indirect.gather [hbm4b:s4+s15], $0x80, s9, s15, $0xb8;
	[tilespmem:$0x1D000] =	vst v63  }
0x1b8: {  	s10 =	rddreg [dreg:$0x10]  }
0x1b9: {  	[tilespmem:s16], [sflag:$0x1] =	stream.indirect.gather [hbm4b:s4+s15], $0x80, s10, s15, $0xb8;
	[tilespmem:$0x1D000] =	vst v63  }
0x1ba: {  	_ =	swait.ge [sflag:s17], $0x4000  }
0x1bb: {  	[sflag:s17] =	ssyncset.done $0x0  }
0x1bc: {  	[sflag:s17] =	ssyncadd.s32 $0xFFFFC000  }
0x1bd: {  	_ =	swait.ge [sflag:s17], $0x4000  }
0x1be: {  	[sflag:s17] =	ssyncset.done $0x0  }
0x1bf: {  	s11 =	rddreg [dreg:$0x11];
	[sflag:s17] =	ssyncadd.s32 $0xFFFFC000  }
0x1c0: {  	[spmem:s2] =	stream.indirect.scatter.add.f32 [tilespmem:s12], [sflag:$0x2], $0x80, s11, s15, $0xb8;
	[tilespmem:$0x1D000] =	vst v63  }
0x1c1: {  	_ = 	snop  }
0x1c2: {  	[spmem:s2] =	stream.indirect.scatter.add.f32 [tilespmem:s16], [sflag:$0x2], $0x80, s19, s15, $0xb8;
	[tilespmem:$0x1D000] =	vst v63  }
0x1c3: {  	_ =	swait.ge [sflag:s18], $0x4000  }
0x1c4: {  	[sflag:s18] =	ssyncset.done $0x0  }
0x1c5: {  	[sflag:s18] =	ssyncadd.s32 $0xFFFFC000  }
0x1c6: {  	_ =	swait.ge [sflag:s18], $0x4000  }
0x1c7: {  	[sflag:s18] =	ssyncset.done $0x0  }
0x1c8: {  	[sflag:s18] =	ssyncadd.s32 $0xFFFFC000  }
0x1c9: {  	[tilespmem:s12], [sflag:$0x1] =	stream.indirect.gather [hbm4b:s4+s15], $0x80, s20, s15, $0xb8;
	[tilespmem:$0x1D000] =	vst v63  }
0x1ca: {  	_ = 	snop  }
0x1cb: {  	[tilespmem:s16], [sflag:$0x1] =	stream.indirect.gather [hbm4b:s4+s15], $0x80, s21, s15, $0xb8;
	[tilespmem:$0x1D000] =	vst v63  }
0x1cc: {  	_ =	swait.ge [sflag:s17], $0x4000  }
0x1cd: {  	[sflag:s17] =	ssyncset.done $0x0  }
0x1ce: {  	[sflag:s17] =	ssyncadd.s32 $0xFFFFC000  }
0x1cf: {  	_ =	swait.ge [sflag:s17], $0x4000  }
0x1d0: {  	[sflag:s17] =	ssyncset.done $0x0  }
0x1d1: {  	[sflag:s17] =	ssyncadd.s32 $0xFFFFC000  }
0x1d2: {  	[spmem:s2] =	stream.indirect.scatter.add.f32 [tilespmem:s12], [sflag:$0x2], $0x80, s22, s15, $0xb8;
	[tilespmem:$0x1D000] =	vst v63  }
0x1d3: {  	_ = 	snop  }
0x1d4: {  	[spmem:s2] =	stream.indirect.scatter.add.f32 [tilespmem:s16], [sflag:$0x2], $0x80, s23, s15, $0xb8;
	[tilespmem:$0x1D000] =	vst v63  }
0x1d5: {  	_ =	swait.ge [sflag:s18], $0x4000  }
0x1d6: {  	[sflag:s18] =	ssyncset.done $0x0  }
0x1d7: {  	[sflag:s18] =	ssyncadd.s32 $0xFFFFC000  }
0x1d8: {  	_ =	swait.ge [sflag:s18], $0x4000  }
0x1d9: {  	[sflag:s18] =	ssyncset.done $0x0  }
0x1da: {  	[sflag:s18] =	ssyncadd.s32 $0xFFFFC000  }
0x1db: {  	[tilespmem:s12], [sflag:$0x1] =	stream.indirect.gather [hbm4b:s4+s15], $0x80, s24, s15, $0xb8;
	[tilespmem:$0x1D000] =	vst v63  }
0x1dc: {  	_ = 	snop  }
0x1dd: {  	[tilespmem:s16], [sflag:$0x1] =	stream.indirect.gather [hbm4b:s4+s15], $0x80, s25, s15, $0xb8;
	[tilespmem:$0x1D000] =	vst v63  }
0x1de: {  	_ =	swait.ge [sflag:s17], $0x4000  }
0x1df: {  	[sflag:s17] =	ssyncset.done $0x0  }
0x1e0: {  	[sflag:s17] =	ssyncadd.s32 $0xFFFFC000  }
0x1e1: {  	_ =	swait.ge [sflag:s17], $0x4000  }
0x1e2: {  	[sflag:s17] =	ssyncset.done $0x0  }
0x1e3: {  	[sflag:s17] =	ssyncadd.s32 $0xFFFFC000  }
0x1e4: {  	[spmem:s2] =	stream.indirect.scatter.add.f32 [tilespmem:s12], [sflag:$0x2], $0x80, s26, s15, $0xb8;
	[tilespmem:$0x1D000] =	vst v63  }
0x1e5: {  	_ = 	snop  }
0x1e6: {  	[spmem:s2] =	stream.indirect.scatter.add.f32 [tilespmem:s16], [sflag:$0x2], $0x80, s28, s15, $0xb8;
	[tilespmem:$0x1D000] =	vst v63  }
0x1e7: {  	_ =	swait.ge [sflag:s18], $0x4000  }
0x1e8: {  	[sflag:s18] =	ssyncset.done $0x0  }
0x1e9: {  	[sflag:s18] =	ssyncadd.s32 $0xFFFFC000  }
0x1ea: {  	_ =	swait.ge [sflag:s18], $0x4000  }
0x1eb: {  	[sflag:s18] =	ssyncset.done $0x0  }
0x1ec: {  	[sflag:s18] =	ssyncadd.s32 $0xFFFFC000  }
0x1ed: {  	[tilespmem:s12], [sflag:$0x1] =	stream.indirect.gather [hbm4b:s4+s15], $0x80, s29, s15, $0xb8;
	[tilespmem:$0x1D000] =	vst v63  }
0x1ee: {  	_ = 	snop  }
0x1ef: {  	[tilespmem:s16], [sflag:$0x1] =	stream.indirect.gather [hbm4b:s4+s15], $0x80, s30, s15, $0xb8;
	[tilespmem:$0x1D000] =	vst v63  }
0x1f0: {  	_ =	swait.ge [sflag:s17], $0x4000  }
0x1f1: {  	[sflag:s17] =	ssyncset.done $0x0  }
0x1f2: {  	[sflag:s17] =	ssyncadd.s32 $0xFFFFC000  }
0x1f3: {  	_ =	swait.ge [sflag:s17], $0x4000  }
0x1f4: {  	[sflag:s17] =	ssyncset.done $0x0  }
0x1f5: {  	[sflag:s17] =	ssyncadd.s32 $0xFFFFC000  }
0x1f6: {  	[spmem:s2] =	stream.indirect.scatter.add.f32 [tilespmem:s12], [sflag:$0x2], $0x80, s31, s15, $0xb8;
	[tilespmem:$0x1D000] =	vst v63  }
0x1f7: {  	_ = 	snop  }
0x1f8: {  	[spmem:s2] =	stream.indirect.scatter.add.f32 [tilespmem:s16], [sflag:$0x2], $0x80, s1, s15, $0xb8;
	[tilespmem:$0x1D000] =	vst v63  }
0x1f9: {  	_ =	swait.ge [sflag:s18], $0x4000  }
0x1fa: {  	[sflag:s18] =	ssyncset.done $0x0  }
0x1fb: {  	[sflag:s18] =	ssyncadd.s32 $0xFFFFC000  }
0x1fc: {  	_ =	swait.ge [sflag:s18], $0x4000  }
0x1fd: {  	[sflag:s18] =	ssyncset.done $0x0  }
0x1fe: {  	[sflag:s18] =	ssyncadd.s32 $0xFFFFC000  }
0x1ff: {  	[tilespmem:s12], [sflag:$0x1] =	stream.indirect.gather [hbm4b:s4+s15], $0x80, s0, s15, $0xb8;
	[tilespmem:$0x1D000] =	vst v63  }
0x200: {  	_ = 	snop  }
0x201: {  	[tilespmem:s16], [sflag:$0x1] =	stream.indirect.gather [hbm4b:s4+s15], $0x80, s6, s15, $0xb8;
	[tilespmem:$0x1D000] =	vst v63  }
0x202: {  	_ =	swait.ge [sflag:s17], $0x4000  }
0x203: {  	[sflag:s17] =	ssyncset.done $0x0  }
0x204: {  	[sflag:s17] =	ssyncadd.s32 $0xFFFFC000  }
0x205: {  	_ =	swait.ge [sflag:s17], $0x4000  }
0x206: {  	[sflag:s17] =	ssyncset.done $0x0  }
0x207: {  	[sflag:s17] =	ssyncadd.s32 $0xFFFFC000  }
0x208: {  	[spmem:s2] =	stream.indirect.scatter.add.f32 [tilespmem:s12], [sflag:$0x2], $0x80, s7, s15, $0xb8;
	[tilespmem:$0x1D000] =	vst v63  }
0x209: {  	_ = 	snop  }
0x20a: {  	[spmem:s2] =	stream.indirect.scatter.add.f32 [tilespmem:s16], [sflag:$0x2], $0x80, s8, s15, $0xb8;
	[tilespmem:$0x1D000] =	vst v63  }
0x20b: {  	_ =	swait.ge [sflag:s18], $0x4000  }
0x20c: {  	[sflag:s18] =	ssyncset.done $0x0  }
0x20d: {  	[sflag:s18] =	ssyncadd.s32 $0xFFFFC000  }
0x20e: {  	_ =	swait.ge [sflag:s18], $0x4000  }
0x20f: {  	[sflag:s18] =	ssyncset.done $0x0  }
0x210: {  	[sflag:s18] =	ssyncadd.s32 $0xFFFFC000  }
0x211: {  	s9 =	stileid.u32;
	[bflag:$0x0] =	sbarrier.arrive $0xFFFF  }
0x212: {  	s5 =	sshll.u32 s9, $0x6;
	s10 =	rddreg [dreg:$0x12]  }
0x213: {  	s5 =	sor.u32 $0x1C03, s5;
	s11 =	rddreg [dreg:$0x13];
	s9 =	sshrl.u32 s10, $0x3  }
0x214: {  	[hbm:s11], [sflag:s5] =	dma.local [spmem:s9], $0x2800  }
0x215: {  	_ =	swait.ge [sflag:s13], $0x2800  }
0x216: {  	s10 =	rddreg [dreg:$0x19]  }
0x217: {  	s11 =	rddreg [dreg:$0x14];
	s9 =	sadd.s32 $0x1, s10  }
0x218: {  	p0 =	sne.s32 s9, s11  }
.Ltmp2:
0x219: {  	_ = 	snop;
	(pc) =	sbr.rel @p0 .LBB2_1-.Ltmp2, $3  }
0x21a: {  	_ =	sdelay $0x1  }
0x21b: {  	[sflag:s13] =	ssyncset.done $0x0  }
0x21c: {  	[sflag:s13] =	ssyncadd.s32 $0xFFFFD800  }
0x21d: {  	_ =	sfence.sel $0x180000  }
0x21e: {  	[bflag:$0x0] =	sbarrier.arrive $0xFFFF  }
0x21f: {  	_ =	strace $0x9000004A  }
0x220: {  	s0 =	stileid.u32;
	[bflag:$0x2] =	sbarrier.arrive $0xFFFF  }
0x221: {  	p0 =	sne.s32 s0, $0x0;
	s0 =	rddreg [dreg:$0x3]  }
0x222: {  	s0 =	sadd.s32 @!p0 $0x100000, s0  }
0x223: {  	[sflag:s0] =	ssyncadd.tile.s32 @!p0 $0x1;
	_ =	shalt  }
.Lfunc_end2:
_tile_overlayer_lowered:
.L_overlay_start_2:
0x224: {  	(tag) =	ssettag $0x2  }
0x225: {  	s0 =	rddreg [dreg:$0x0];
	s2 =	stileid.u32  }
0x226: {  	s1 =	rddreg [dreg:$0x1];
	p0 =	sne.s32 s2, $0x0  }
0x227: {  	s3 =	rddreg [dreg:$0x2];
	[bflag:$0x3] =	sbarrier.arrive $0xFFFF;
	s2 =	simm.s32 @!p0 $0x1C03  }
0x228: {  	[timem:s3], [sflag:s2] =	dma.local @!p0 [hbm:s0], s1  }
0x229: {  	s0 =	simm.s32 @!p0 $0x3  }
0x22a: {  	_ =	swait.ge @!p0 [sflag:s0], s1  }
0x22b: {  	s1 =	ssub.s32 @!p0 $0x0, s1;
	[sflag:s0] =	ssyncset.done @!p0 $0x0  }
0x22c: {  	[sflag:s0] =	ssyncadd.s32 @!p0 s1  }
0x22d: {  	[bflag:$0x3] =	sbarrier.arrive $0xFFFF  }
0x22e: {  	_ =	shalt  }

// kernel: kernel.14.cloned.1.call-start
scs
__scs_entry_jumppad:
0x0: {  	(pc) =	sbr.rel $0x88, $3  }
0x1: {  	(tag) =	ssettag $0x0;
	lr =	simm.s32 $0x1  }
0x2: {  	[smem:$0x3F9B] =	sst lr;
	_ =	strace $0xD0000000  }
0x3: {  	_ = 	snop  }
0x4: {  	_ = 	snop  }
0x5: {  	_ = 	snop  }
0x6: {  	_ = 	snop  }
0x7: {  	_ = 	snop  }
__scs_overlays_trampoline_lowered:
0x8: {  	[smem:$0x3FAA] =	sst s0  }
0x9: {  	[smem:$0x3FAB] =	sst s1  }
0xa: {  	[smem:$0x3FAC] =	sst s2  }
0xb: {  	[smem:$0x3FAD] =	sst s3  }
0xc: {  	[smem:$0x3FAE] =	sst s4  }
0xd: {  	[smem:$0x3FAF] =	sst s5  }
0xe: {  	[smem:$0x3FB0] =	sst s6  }
0xf: {  	[smem:$0x3FB1] =	sst s7  }
0x10: {  	[smem:$0x3FB2] =	sst s8  }
0x11: {  	[smem:$0x3FB3] =	sst s9;
	s0 =	simm.s32 @!p0 $0x0  }
0x12: {  	s1 =	sld [smem:$0x3F99];
	s0 =	simm.s32 @p0 $0x1  }
0x13: {  	[smem:$0x3FB4] =	sst s0;
	s0 =	simm.s32 @!p1 $0x0  }
0x14: {  	s2 =	sld [smem:$0x3F98];
	s0 =	simm.s32 @p1 $0x1  }
0x15: {  	[smem:$0x3FB5] =	sst s0;
	s0 =	simm.s32 @!p2 $0x0  }
0x16: {  	s3 =	sld [smem:$0x3FDB];
	s0 =	simm.s32 @p2 $0x1  }
0x17: {  	s4 =	simm.s32 $0x1BF5;
	[smem:$0x3FB7] =	sst s0  }
0x18: {  	s0 =	sld [smem:$0x3F9A];
	_ =	swait.ge [sflag:s4], $0x0  }
0x19: {  	s7 =	sld [smem:$0x3F9B]  }
0x1a: {  	s8 =	sadd.s32 $0xFFFFE003, lr  }
0x1b: {  	s9 =	sadd.s32 $0xFFFFFEF7, lr;
	s5 =	simm.s32 $0xFFFFFFFF;
	p2 =	slt.u32 s8, $0xFFFFF086  }
0x1c: {  	p1 =	slt.u32 s9, $0xF7A;
	s5 =	simm.s32 @!p2 $0x0  }
0x1d: {  	s5 =	simm.s32 @p1 $0x1;
	p0 =	seq.s32 s7, s2  }
0x1e: {  	s7 =	smul.u32 @!p0 $0xF7A, s2;
	p2 =	seq.s32 @!p0 s5, $0x0  }
0x1f: {  	s9 =	smul.u32 $0xF7A, s1;
	s8 =	simm.s32 @!p0 $0x1BF5;
	p2 =	por !p2, p0  }
0x20: {  	[sflag:s8] =	ssyncset.s32 @!p0 $0xFFFFF086;
	s6 =	sadd.s32 @!p0 s3, s7;
	s7 =	simm.s32 @!p0 $0x108  }
0x21: {  	s3 =	sadd.s32 s3, s9;
	s6 =	sadd.s32 @!p0 $0x88, s6;
	s7 =	simm.s32 @p2 $0x1082  }
0x22: {  	[simem:s7], [sflag:s8] =	dma.local @!p0 [hbm:s6], $0xF7A  }
0x23: {  	s9 =	sor.u32 $0xD0000000, s2;
	s6 =	simm.s32 $0x108;
	_ =	swait.ge @!p0 [sflag:s8], $0x0  }
0x24: {  	s3 =	sadd.s32 $0x88, s3;
	s6 =	simm.s32 @!p1 $0x1082;
	[sflag:s4] =	ssyncset.s32 $0xFFFFF086  }
0x25: {  	[simem:s6], [sflag:s4] =	dma.local [hbm:s3], $0xF7A  }
0x26: {  	[smem:$0x3F9B] =	sst s1;
	(tag) =	ssettag s2;
	_ =	strace s9  }
0x27: {  	s1 =	sld [smem:$0x3FAB]  }
0x28: {  	s2 =	sld [smem:$0x3FAC]  }
0x29: {  	s4 =	sld [smem:$0x3FAE]  }
0x2a: {  	p0 =	seq.s32 s5, $0x0;
	s5 =	sld [smem:$0x3FAF]  }
0x2b: {  	s6 =	sld [smem:$0x3FB0]  }
0x2c: {  	s7 =	sld [smem:$0x3FB1]  }
0x2d: {  	s3 =	simm.s32 $0x108;
	s8 =	sld [smem:$0x3FB2]  }
0x2e: {  	s3 =	simm.s32 @!p0 $0x1082;
	s9 =	sld [smem:$0x3FB3]  }
0x2f: {  	lr =	sadd.s32 s0, s3;
	s0 =	sld [smem:$0x3FAA]  }
0x30: {  	s3 =	sld [smem:$0x3FAD]  }
0x31: {  	[smem:$0x3FB6] =	sst s10  }
0x32: {  	s10 =	sld [smem:$0x3FB4];
	_ =	sdelay $0x3  }
0x33: {  	p0 =	seq.s32 s10, $0x1;
	s10 =	sld [smem:$0x3FB6];
	_ =	sdelay $0x3  }
0x34: {  	[smem:$0x3FB6] =	sst s10  }
0x35: {  	s10 =	sld [smem:$0x3FB5];
	_ =	sdelay $0x3  }
0x36: {  	p1 =	seq.s32 s10, $0x1;
	s10 =	sld [smem:$0x3FB6];
	_ =	sdelay $0x3  }
0x37: {  	[smem:$0x3FB6] =	sst s10  }
0x38: {  	s10 =	sld [smem:$0x3FB7]  }
0x39: {  	_ = 	snop;
	(pc) =	sbr.ind lr, $3  }
0x3a: {  	_ = 	snop  }
0x3b: {  	_ = 	snop  }
0x3c: {  	p2 =	seq.s32 s10, $0x1;
	s10 =	sld [smem:$0x3FB6]  }
0x3d: {  	_ =	shalt  }
0x3e: {  	_ =	shalt  }
0x3f: {  	_ =	shalt  }
0x40: {  	_ =	shalt  }
0x41: {  	_ =	shalt  }
0x42: {  	_ =	shalt  }
0x43: {  	_ =	shalt  }
0x44: {  	_ =	shalt  }
0x45: {  	_ =	shalt  }
0x46: {  	_ =	shalt  }
0x47: {  	_ =	shalt  }
0x48: {  	_ =	shalt  }
0x49: {  	_ =	shalt  }
0x4a: {  	_ =	shalt  }
0x4b: {  	_ =	shalt  }
0x4c: {  	_ =	shalt  }
0x4d: {  	_ =	shalt  }
0x4e: {  	_ =	shalt  }
0x4f: {  	_ =	shalt  }
0x50: {  	_ =	shalt  }
0x51: {  	_ =	shalt  }
0x52: {  	_ =	shalt  }
0x53: {  	_ =	shalt  }
0x54: {  	_ =	shalt  }
0x55: {  	_ =	shalt  }
0x56: {  	_ =	shalt  }
0x57: {  	_ =	shalt  }
0x58: {  	_ =	shalt  }
0x59: {  	_ =	shalt  }
0x5a: {  	_ =	shalt  }
0x5b: {  	_ =	shalt  }
0x5c: {  	_ =	shalt  }
0x5d: {  	_ =	shalt  }
0x5e: {  	_ =	shalt  }
0x5f: {  	_ =	shalt  }
0x60: {  	_ =	shalt  }
0x61: {  	_ =	shalt  }
0x62: {  	_ =	shalt  }
0x63: {  	_ =	shalt  }
0x64: {  	_ =	shalt  }
0x65: {  	_ =	shalt  }
0x66: {  	_ =	shalt  }
0x67: {  	_ =	shalt  }
0x68: {  	_ =	shalt  }
0x69: {  	_ =	shalt  }
0x6a: {  	_ =	shalt  }
0x6b: {  	_ =	shalt  }
0x6c: {  	_ =	shalt  }
0x6d: {  	_ =	shalt  }
0x6e: {  	_ =	shalt  }
0x6f: {  	_ =	shalt  }
0x70: {  	_ =	shalt  }
0x71: {  	_ =	shalt  }
0x72: {  	_ =	shalt  }
0x73: {  	_ =	shalt  }
0x74: {  	_ =	shalt  }
0x75: {  	_ =	shalt  }
0x76: {  	_ =	shalt  }
0x77: {  	_ =	shalt  }
0x78: {  	_ =	shalt  }
0x79: {  	_ =	shalt  }
0x7a: {  	_ =	shalt  }
0x7b: {  	_ =	shalt  }
0x7c: {  	_ =	shalt  }
0x7d: {  	_ =	shalt  }
0x7e: {  	_ =	shalt  }
0x7f: {  	_ =	shalt  }
0x80: {  	_ =	shalt  }
0x81: {  	_ =	shalt  }
0x82: {  	_ =	shalt  }
0x83: {  	_ =	shalt  }
0x84: {  	_ =	shalt  }
0x85: {  	_ =	shalt  }
0x86: {  	_ =	shalt  }
0x87: {  	_ =	shalt  }
.Lfunc_end0:
.L_simem_size_0:
called_computation.2_lowered:
.L_overlay_start_0:
0x88: {  	s2 =	sld [smem:$0x3FD9]  }
0x89: {  	s3 =	sld [smem:$0x3FFE];
	_ =	sdelay $0x1  }
0x8a: {  	s1 =	srdreg.scid  }
0x8b: {  	s0 =	sand.u32 $0x1, s1  }
0x8c: {  	s17 =	sshll.u32 s0, $0xA;
	s2 =	sadd.s32 s3, s2  }
0x8d: {  	s2 =	sadd.s32 s2, s17  }
0x8e: {  	[smem:$0x3FC2] =	sst s2  }
0x8f: {  	_ = 	snop  }
0x90: {  	s2 =	sld [smem:$0x3FD0];
	(tm) =	ssettm $0x1  }
0x91: {  	s18 =	sld [smem:$0x3FFB];
	_ =	sdelay $0x3  }
0x92: {  	_ =	strace s18  }
0x93: {  	s3 =	sld [smem:$0x3FFC];
	_ =	sdelay $0x3  }
0x94: {  	_ =	strace s3  }
0x95: {  	s3 =	sld [smem:$0x3FFD];
	_ =	sdelay $0x3  }
0x96: {  	_ =	strace s3  }
0x97: {  	_ =	strace $0x8FFFFFFF  }
0x98: {  	s19 =	sld [smem:$0x3FDB];
	_ =	sdelay $0x1  }
0x99: {  	s4 =	simm.s32 $_scs_section_size  }
0x9a: {  	s5 =	simm.s32 $_size__tile_overlayer_lowered;
	s6 =	simm.s32 $_tile_overlayer_lowered  }
0x9b: {  	s22 =	simm.s32 $0x1BFF;
	s21 =	sshll.u32 s6, $0x1;
	s3 =	sadd.s32 s4, s19  }
0x9c: {  	s7 =	simm.s32 $0x0;
	s20 =	sshll.u32 s5, $0x1;
	s5 =	sadd.s32 s21, s3  }
0x9d: {  	[timem:s7], [sflag:s22] =	dma.local [hbm:s5], s20  }
0x9e: {  	_ =	swait.ge [sflag:s22], s20  }
0x9f: {  	s4 =	ssub.s32 $0x0, s20;
	[sflag:s22] =	ssyncset.done $0x0  }
0xa0: {  	[sflag:s22] =	ssyncadd.s32 s4;
	_ =	sdelay $0x1  }
0xa1: {  	s23 =	simm.s32 $0x1B8B  }
0xa2: {  	_ =	swait.ge [sflag:s23], $0x1  }
0xa3: {  	[sflag:s23] =	ssyncset.done $0x0  }
0xa4: {  	s25 =	simm.s32 $0x1B8E;
	s24 =	sld [smem:$0x3FFE];
	[sflag:s23] =	ssyncadd.s32 $0xFFFFFFFF  }
0xa5: {  	s26 =	simm.s32 $execute0_lowered;
	[smem:$0x3FD2] =	sst s25  }
0xa6: {  	s5 =	sshll.u32 s26, $0x1;
	_ =	strace $0x8000004C;
	[dreg:$0x1] =	wrdreg $0xFFFFFFFF  }
0xa7: {  	s28 =	simm.s32 $_size_execute0_lowered;
	s3 =	sadd.s32 s3, s5;
	[dreg:$0x0] =	wrdreg $0x0  }
0xa8: {  	s5 =	sshll.u32 s28, $0x1;
	[dreg:$0x2] =	wrdreg s3  }
0xa9: {  	[dreg:$0x3] =	wrdreg s5  }
0xaa: {  	[dreg:$0x4] =	wrdreg $0xC0  }
0xab: {  	_ =	task [dreg:s7], $0x5FFFF  }
0xac: {  	[dreg:$0x1] =	wrdreg $0xFFFFFFFF  }
0xad: {  	[dreg:$0x0] =	wrdreg $0x60  }
0xae: {  	[dreg:$0x2] =	wrdreg s24  }
0xaf: {  	[dreg:$0x3] =	wrdreg s2  }
0xb0: {  	[dreg:$0x4] =	wrdreg $0x90000  }
0xb1: {  	[dreg:$0x5] =	wrdreg $0x9  }
0xb2: {  	_ =	task.clear_ibuf [dreg:s7], $0x6FFFF;
	_ =	strace $0x9000004C  }
0xb3: {  	s29 =	simm.s32 $0x9;
	_ =	strace $0x8000004E  }
0xb4: {  	_ =	swait.ge [sflag:s29], $0x1  }
0xb5: {  	[sflag:s29] =	ssyncadd.s32 $0xFFFFFFFF  }
0xb6: {  	_ =	strace $0x9000004E  }
0xb7: {  	_ =	sfence  }
0xb8: {  	s30 =	sld [smem:$0x0];
	_ =	sdelay $0x2  }
0xb9: {  	s31 =	sshll.u32 s1, $0xD;
	s1 =	sshrl.u32 s1, $0x2  }
0xba: {  	s3 =	sand.u32 $0x4000, s31;
	s1 =	sadd.s32 s1, s30  }
0xbb: {  	s0 =	sor.u32 s3, s0;
	s1 =	sshll.u32 s1, $0x11  }
0xbc: {  	s0 =	sor.u32 s1, s0  }
0xbd: {  	s0 =	sadd.s32 $0x8F2B, s0  }
0xbe: {  	[sflag:s0] =	ssyncadd.remote.s32 $0x1  }
0xbf: {  	_ =	sfence.sel $0xFFFF  }
0xc0: {  	[dreg:$0x0] =	wrdreg $0xFFFFFFFF;
	(pc) =	sbr.abs _section_cstart, $3  }
0xc1: {  	[dreg:$0x1] =	wrdreg $0xFFFFFFFF  }
0xc2: {  	_ =	task.clear_ibuf [dreg:s7], $0x2FFFF;
	_ =	strace $0x9FFFFFFF  }
0xc3: {  	(tm) =	ssettm $0x7FFFFFFF  }
tec
execute0_lowered:
.L_overlay_start_1:
0x0: {  	(tag) =	ssettag $0x1  }
0x1: {  	s0 =	rddreg [dreg:$0x0]  }
0x2: {  	s1 =	srdreg.scid;
	s5 =	rddreg [dreg:$0x1]  }
0x3: {  	s10 =	stileid.u32;
	s2 =	rddreg [dreg:$0x2]  }
0x4: {  	s3 =	simm.s32 $0x0;
	s11 =	simm.s32 $0x880;
	s12 =	simm.s32 $0x100  }
0x5: {  	s13 =	simm.s32 $0x180;
	s15 =	simm.s32 $0x900;
	[smem:$0x7FF] =	sst s3  }
0x6: {  	s17 =	simm.s32 $0x980;
	_ =	strace $0x8000004D;
	[dreg:$0x6] =	wrdreg s11  }
0x7: {  	s19 =	simm.s32 $0x200;
	s21 =	simm.s32 $0x280;
	[dreg:$0x7] =	wrdreg s12  }
0x8: {  	s22 =	simm.s32 $0xA00;
	s23 =	simm.s32 $0xA80;
	[dreg:$0x8] =	wrdreg s13  }
0x9: {  	s24 =	simm.s32 $0x300;
	s25 =	simm.s32 $0x380;
	[dreg:$0x9] =	wrdreg s15  }
0xa: {  	s28 =	simm.s32 $0xD80;
	s6 =	smul.u32 $0x2800, s10;
	[dreg:$0xa] =	wrdreg s17  }
0xb: {  	s29 =	simm.s32 $0x600;
	s8 =	smul.u32 $0x14000, s10;
	[dreg:$0xb] =	wrdreg s19  }
0xc: {  	s1 =	sand.u32 $0x1, s1;
	s10 =	smul.u32 $0x50000, s10;
	[dreg:$0xc] =	wrdreg s21  }
0xd: {  	s30 =	simm.s32 $0x680;
	s4 =	smul.u32 $0x28000, s1;
	[dreg:$0xd] =	wrdreg s22  }
0xe: {  	s31 =	simm.s32 $0xE00;
	s7 =	smul.u32 $0x140000, s1;
	[dreg:$0xe] =	wrdreg s23  }
0xf: {  	s1 =	ssub.s32 $0x2, s1;
	s12 =	simm.s32 $0x1000;
	[dreg:$0xf] =	wrdreg s24  }
0x10: {  	s13 =	simm.s32 $0x3;
	s15 =	simm.s32 $0x80;
	[dreg:$0x10] =	wrdreg s25  }
0x11: {  	s17 =	simm.s32 $0x1;
	s19 =	simm.s32 $0xB80;
	s21 =	simm.s32 $0x480  }
0x12: {  	s22 =	simm.s32 $0xC00;
	s23 =	simm.s32 $0xC80;
	s24 =	simm.s32 $0x500  }
0x13: {  	s25 =	simm.s32 $0x580;
	s26 =	sshrl.u32 s1, $0x1;
	s6 =	sadd.s32 s6, s4  }
0x14: {  	s4 =	sadd.s32 $0x71200, s0;
	s7 =	sadd.s32 s8, s7;
	s1 =	ssub.s32 s1, s26  }
0x15: {  	s8 =	sshrl.u32 s10, $0x2;
	s26 =	simm.s32 $0xB00;
	s6 =	sshrl.u32 s6, $0x3  }
0x16: {  	s7 =	sshrl.u32 s7, $0x3;
	s1 =	smax.u32 s1, $0x1;
	[dreg:$0x11] =	wrdreg s26  }
0x17: {  	s26 =	simm.s32 $0xD00;
	s5 =	sadd.s32 s6, s5;
	[dreg:$0x14] =	wrdreg s1  }
0x18: {  	s9 =	sadd.s32 s6, s0;
	s6 =	sadd.s32 s8, s2;
	[dreg:$0x4] =	wrdreg s5  }
0x19: {  	s0 =	sadd.s32 s7, s0;
	s10 =	sadd.s32 $0x17200, s9;
	[dreg:$0x12] =	wrdreg s6  }
0x1a: {  	s1 =	simm.s32 $0xE80;
	s0 =	sadd.s32 $0xC1200, s0;
	[dreg:$0x5] =	wrdreg s10  }
0x1b: {  	s7 =	simm.s32 $0xF00;
	s14 =	sadd.s32 $0x4000, s6;
	[dreg:$0x13] =	wrdreg s0  }
0x1c: {  	s8 =	simm.s32 $0xF80;
	s16 =	sadd.s32 $0x8000, s6;
	[dreg:$0x15] =	wrdreg s14  }
0x1d: {  	s18 =	sadd.s32 $0xC000, s6;
	s20 =	sadd.s32 $0x10000, s6;
	[dreg:$0x16] =	wrdreg s16  }
0x1e: {  	s6 =	simm.s32 $0x780;
	s9 =	simm.s32 $0x0;
	[dreg:$0x17] =	wrdreg s18  }
0x1f: {  	[dreg:$0x18] =	wrdreg s20;
	s14 =	simm.s32 $0x800;
	s16 =	simm.s32 $0x5000  }
0x20: {  	v0 =	vimm.f32 $0.0e+00;
	s18 =	simm.s32 $0x2;
	s20 =	simm.s32 $0x400;
	s0 =	simm.s32 $0x700  }
.LBB2_1:
0x21: {  	s10 =	simm.s32 $0x0;
	s11 =	simm.s32 $0x200  }
.LBB2_2:
0x22: {  	p0 =	sne.s32 s11, $0xFE00;
	[tilespmem:s10+$0x1070] =	vst v0  }
0x23: {  	[tilespmem:s10+$0x1000] =	vst v0  }
0x24: {  	[tilespmem:s10+$0x1010] =	vst v0  }
.Ltmp0:
0x25: {  	[tilespmem:s10+$0x1020] =	vst v0;
	(pc) =	sbr.rel @p0 .LBB2_2-.Ltmp0, $4  }
0x26: {  	[tilespmem:s10+$0x1030] =	vst v0  }
0x27: {  	[tilespmem:s10+$0x1040] =	vst v0  }
0x28: {  	[tilespmem:s10+$0x1050] =	vst v0  }
0x29: {  	[tilespmem:s10+$0x1060] =	vst v0;
	s10 =	sshra.s32 s11, $0x2;
	s11 =	sadd.s32 $0x200, s11  }
0x2a: {  	[tilespmem:s10+$0x1070] =	vst v0  }
0x2b: {  	[tilespmem:s10+$0x1000] =	vst v0  }
0x2c: {  	[tilespmem:s10+$0x1010] =	vst v0  }
0x2d: {  	[tilespmem:s10+$0x1020] =	vst v0  }
0x2e: {  	[tilespmem:s10+$0x1030] =	vst v0  }
0x2f: {  	[tilespmem:s10+$0x1040] =	vst v0  }
0x30: {  	[dreg:$0x19] =	wrdreg s9;
	[tilespmem:s10+$0x1050] =	vst v0  }
0x31: {  	[tilespmem:s10+$0x1060] =	vst v0;
	s5 =	rddreg [dreg:$0x12]  }
0x32: {  	[spmem:s5] =	stream.linear.scatter [tilespmem:s12], [sflag:$0x3], $0x4000, $0x38;
	[tilespmem:$0x1D000] =	vst v63  }
0x33: {  	_ =	swait.ge [sflag:s13], $0x4000  }
0x34: {  	[sflag:s13] =	ssyncset.done $0x0  }
0x35: {  	s10 =	rddreg [dreg:$0x15];
	[sflag:s13] =	ssyncadd.s32 $0xFFFFC000  }
0x36: {  	[spmem:s10] =	stream.linear.scatter [tilespmem:s12], [sflag:$0x3], $0x4000, $0x38;
	[tilespmem:$0x1D000] =	vst v63  }
0x37: {  	_ =	swait.ge [sflag:s13], $0x4000  }
0x38: {  	[sflag:s13] =	ssyncset.done $0x0  }
0x39: {  	s11 =	rddreg [dreg:$0x16];
	[sflag:s13] =	ssyncadd.s32 $0xFFFFC000  }
0x3a: {  	[spmem:s11] =	stream.linear.scatter [tilespmem:s12], [sflag:$0x3], $0x4000, $0x38;
	[tilespmem:$0x1D000] =	vst v63  }
0x3b: {  	_ =	swait.ge [sflag:s13], $0x4000  }
0x3c: {  	[sflag:s13] =	ssyncset.done $0x0  }
0x3d: {  	s9 =	rddreg [dreg:$0x17];
	[sflag:s13] =	ssyncadd.s32 $0xFFFFC000  }
0x3e: {  	[spmem:s9] =	stream.linear.scatter [tilespmem:s12], [sflag:$0x3], $0x4000, $0x38;
	[tilespmem:$0x1D000] =	vst v63  }
0x3f: {  	_ =	swait.ge [sflag:s13], $0x4000  }
0x40: {  	[sflag:s13] =	ssyncset.done $0x0  }
0x41: {  	s10 =	rddreg [dreg:$0x18];
	[sflag:s13] =	ssyncadd.s32 $0xFFFFC000  }
0x42: {  	[spmem:s10] =	stream.linear.scatter [tilespmem:s12], [sflag:$0x3], $0x4000, $0x38;
	[tilespmem:$0x1D000] =	vst v63  }
0x43: {  	_ =	swait.ge [sflag:s13], $0x4000  }
0x44: {  	[sflag:s13] =	ssyncset.done $0x0  }
0x45: {  	[sflag:s13] =	ssyncadd.s32 $0xFFFFC000  }
0x46: {  	[bflag:$0x0] =	sbarrier.arrive $0xFFFF  }
0x47: {  	s11 =	rddreg [dreg:$0x5]  }
0x48: {  	s5 =	sadd.s32 $0x0, s11  }
0x49: {  	[tilespmem:s3], [sflag:$0x3] =	stream.linear.gather [hbm4b:s5+s3], $0x800, $0x38;
	[tilespmem:$0x1D000] =	vst v63  }
0x4a: {  	_ =	swait.ge [sflag:s13], $0x800  }
0x4b: {  	s9 =	rddreg [dreg:$0x4];
	[sflag:s13] =	ssyncset.done $0x0  }
0x4c: {  	[sflag:s13] =	ssyncadd.s32 $0xFFFFF800;
	s5 =	sadd.s32 $0x0, s9  }
0x4d: {  	[tilespmem:s14], [sflag:$0x3] =	stream.linear.gather [hbm4b:s5+s3], $0x800, $0x38;
	[tilespmem:$0x1D000] =	vst v63  }
0x4e: {  	_ =	swait.ge [sflag:s13], $0x800  }
0x4f: {  	[sflag:s13] =	ssyncset.done $0x0  }
0x50: {  	[sflag:s13] =	ssyncadd.s32 $0xFFFFF800  }
0x51: {  	[tilespmem:s12], [sflag:$0x1] =	stream.indirect.gather [hbm4b:s4+s15], $0x80, s3, s15, $0xb8;
	[tilespmem:$0x1D000] =	vst v63  }
0x52: {  	_ = 	snop  }
0x53: {  	[tilespmem:s16], [sflag:$0x1] =	stream.indirect.gather [hbm4b:s4+s15], $0x80, s15, s15, $0xb8;
	[tilespmem:$0x1D000] =	vst v63  }
0x54: {  	_ =	swait.ge [sflag:s17], $0x4000  }
0x55: {  	[sflag:s17] =	ssyncset.done $0x0  }
0x56: {  	[sflag:s17] =	ssyncadd.s32 $0xFFFFC000  }
0x57: {  	_ =	swait.ge [sflag:s17], $0x4000  }
0x58: {  	[sflag:s17] =	ssyncset.done $0x0  }
0x59: {  	[sflag:s17] =	ssyncadd.s32 $0xFFFFC000  }
0x5a: {  	[spmem:s2] =	stream.indirect.scatter.add.f32 [tilespmem:s12], [sflag:$0x2], $0x80, s14, s15, $0xb8;
	[tilespmem:$0x1D000] =	vst v63  }
0x5b: {  	s10 =	rddreg [dreg:$0x6]  }
0x5c: {  	[spmem:s2] =	stream.indirect.scatter.add.f32 [tilespmem:s16], [sflag:$0x2], $0x80, s10, s15, $0xb8;
	[tilespmem:$0x1D000] =	vst v63  }
0x5d: {  	_ =	swait.ge [sflag:s18], $0x4000  }
0x5e: {  	[sflag:s18] =	ssyncset.done $0x0  }
0x5f: {  	[sflag:s18] =	ssyncadd.s32 $0xFFFFC000  }
0x60: {  	_ =	swait.ge [sflag:s18], $0x4000  }
0x61: {  	[sflag:s18] =	ssyncset.done $0x0  }
0x62: {  	s11 =	rddreg [dreg:$0x7];
	[sflag:s18] =	ssyncadd.s32 $0xFFFFC000  }
0x63: {  	[tilespmem:s12], [sflag:$0x1] =	stream.indirect.gather [hbm4b:s4+s15], $0x80, s11, s15, $0xb8;
	[tilespmem:$0x1D000] =	vst v63  }
0x64: {  	s9 =	rddreg [dreg:$0x8]  }
0x65: {  	[tilespmem:s16], [sflag:$0x1] =	stream.indirect.gather [hbm4b:s4+s15], $0x80, s9, s15, $0xb8;
	[tilespmem:$0x1D000] =	vst v63  }
0x66: {  	_ =	swait.ge [sflag:s17], $0x4000  }
0x67: {  	[sflag:s17] =	ssyncset.done $0x0  }
0x68: {  	[sflag:s17] =	ssyncadd.s32 $0xFFFFC000  }
0x69: {  	_ =	swait.ge [sflag:s17], $0x4000  }
0x6a: {  	[sflag:s17] =	ssyncset.done $0x0  }
0x6b: {  	s11 =	rddreg [dreg:$0x9];
	[sflag:s17] =	ssyncadd.s32 $0xFFFFC000  }
0x6c: {  	[spmem:s2] =	stream.indirect.scatter.add.f32 [tilespmem:s12], [sflag:$0x2], $0x80, s11, s15, $0xb8;
	[tilespmem:$0x1D000] =	vst v63  }
0x6d: {  	s9 =	rddreg [dreg:$0xa]  }
0x6e: {  	[spmem:s2] =	stream.indirect.scatter.add.f32 [tilespmem:s16], [sflag:$0x2], $0x80, s9, s15, $0xb8;
	[tilespmem:$0x1D000] =	vst v63  }
0x6f: {  	_ =	swait.ge [sflag:s18], $0x4000  }
0x70: {  	[sflag:s18] =	ssyncset.done $0x0  }
0x71: {  	[sflag:s18] =	ssyncadd.s32 $0xFFFFC000  }
0x72: {  	_ =	swait.ge [sflag:s18], $0x4000  }
0x73: {  	[sflag:s18] =	ssyncset.done $0x0  }
0x74: {  	s11 =	rddreg [dreg:$0xb];
	[sflag:s18] =	ssyncadd.s32 $0xFFFFC000  }
0x75: {  	[tilespmem:s12], [sflag:$0x1] =	stream.indirect.gather [hbm4b:s4+s15], $0x80, s11, s15, $0xb8;
	[tilespmem:$0x1D000] =	vst v63  }
0x76: {  	s9 =	rddreg [dreg:$0xc]  }
0x77: {  	[tilespmem:s16], [sflag:$0x1] =	stream.indirect.gather [hbm4b:s4+s15], $0x80, s9, s15, $0xb8;
	[tilespmem:$0x1D000] =	vst v63  }
0x78: {  	_ =	swait.ge [sflag:s17], $0x4000  }
0x79: {  	[sflag:s17] =	ssyncset.done $0x0  }
0x7a: {  	[sflag:s17] =	ssyncadd.s32 $0xFFFFC000  }
0x7b: {  	_ =	swait.ge [sflag:s17], $0x4000  }
0x7c: {  	[sflag:s17] =	ssyncset.done $0x0  }
0x7d: {  	s11 =	rddreg [dreg:$0xd];
	[sflag:s17] =	ssyncadd.s32 $0xFFFFC000  }
0x7e: {  	[spmem:s2] =	stream.indirect.scatter.add.f32 [tilespmem:s12], [sflag:$0x2], $0x80, s11, s15, $0xb8;
	[tilespmem:$0x1D000] =	vst v63  }
0x7f: {  	s9 =	rddreg [dreg:$0xe]  }
0x80: {  	[spmem:s2] =	stream.indirect.scatter.add.f32 [tilespmem:s16], [sflag:$0x2], $0x80, s9, s15, $0xb8;
	[tilespmem:$0x1D000] =	vst v63  }
0x81: {  	_ =	swait.ge [sflag:s18], $0x4000  }
0x82: {  	[sflag:s18] =	ssyncset.done $0x0  }
0x83: {  	[sflag:s18] =	ssyncadd.s32 $0xFFFFC000  }
0x84: {  	_ =	swait.ge [sflag:s18], $0x4000  }
0x85: {  	[sflag:s18] =	ssyncset.done $0x0  }
0x86: {  	s11 =	rddreg [dreg:$0xf];
	[sflag:s18] =	ssyncadd.s32 $0xFFFFC000  }
0x87: {  	[tilespmem:s12], [sflag:$0x1] =	stream.indirect.gather [hbm4b:s4+s15], $0x80, s11, s15, $0xb8;
	[tilespmem:$0x1D000] =	vst v63  }
0x88: {  	s9 =	rddreg [dreg:$0x10]  }
0x89: {  	[tilespmem:s16], [sflag:$0x1] =	stream.indirect.gather [hbm4b:s4+s15], $0x80, s9, s15, $0xb8;
	[tilespmem:$0x1D000] =	vst v63  }
0x8a: {  	_ =	swait.ge [sflag:s17], $0x4000  }
0x8b: {  	[sflag:s17] =	ssyncset.done $0x0  }
0x8c: {  	[sflag:s17] =	ssyncadd.s32 $0xFFFFC000  }
0x8d: {  	_ =	swait.ge [sflag:s17], $0x4000  }
0x8e: {  	[sflag:s17] =	ssyncset.done $0x0  }
0x8f: {  	s11 =	rddreg [dreg:$0x11];
	[sflag:s17] =	ssyncadd.s32 $0xFFFFC000  }
0x90: {  	[spmem:s2] =	stream.indirect.scatter.add.f32 [tilespmem:s12], [sflag:$0x2], $0x80, s11, s15, $0xb8;
	[tilespmem:$0x1D000] =	vst v63  }
0x91: {  	_ = 	snop  }
0x92: {  	[spmem:s2] =	stream.indirect.scatter.add.f32 [tilespmem:s16], [sflag:$0x2], $0x80, s19, s15, $0xb8;
	[tilespmem:$0x1D000] =	vst v63  }
0x93: {  	_ =	swait.ge [sflag:s18], $0x4000  }
0x94: {  	[sflag:s18] =	ssyncset.done $0x0  }
0x95: {  	[sflag:s18] =	ssyncadd.s32 $0xFFFFC000  }
0x96: {  	_ =	swait.ge [sflag:s18], $0x4000  }
0x97: {  	[sflag:s18] =	ssyncset.done $0x0  }
0x98: {  	[sflag:s18] =	ssyncadd.s32 $0xFFFFC000  }
0x99: {  	[tilespmem:s12], [sflag:$0x1] =	stream.indirect.gather [hbm4b:s4+s15], $0x80, s20, s15, $0xb8;
	[tilespmem:$0x1D000] =	vst v63  }
0x9a: {  	_ = 	snop  }
0x9b: {  	[tilespmem:s16], [sflag:$0x1] =	stream.indirect.gather [hbm4b:s4+s15], $0x80, s21, s15, $0xb8;
	[tilespmem:$0x1D000] =	vst v63  }
0x9c: {  	_ =	swait.ge [sflag:s17], $0x4000  }
0x9d: {  	[sflag:s17] =	ssyncset.done $0x0  }
0x9e: {  	[sflag:s17] =	ssyncadd.s32 $0xFFFFC000  }
0x9f: {  	_ =	swait.ge [sflag:s17], $0x4000  }
0xa0: {  	[sflag:s17] =	ssyncset.done $0x0  }
0xa1: {  	[sflag:s17] =	ssyncadd.s32 $0xFFFFC000  }
0xa2: {  	[spmem:s2] =	stream.indirect.scatter.add.f32 [tilespmem:s12], [sflag:$0x2], $0x80, s22, s15, $0xb8;
	[tilespmem:$0x1D000] =	vst v63  }
0xa3: {  	_ = 	snop  }
0xa4: {  	[spmem:s2] =	stream.indirect.scatter.add.f32 [tilespmem:s16], [sflag:$0x2], $0x80, s23, s15, $0xb8;
	[tilespmem:$0x1D000] =	vst v63  }
0xa5: {  	_ =	swait.ge [sflag:s18], $0x4000  }
0xa6: {  	[sflag:s18] =	ssyncset.done $0x0  }
0xa7: {  	[sflag:s18] =	ssyncadd.s32 $0xFFFFC000  }
0xa8: {  	_ =	swait.ge [sflag:s18], $0x4000  }
0xa9: {  	[sflag:s18] =	ssyncset.done $0x0  }
0xaa: {  	[sflag:s18] =	ssyncadd.s32 $0xFFFFC000  }
0xab: {  	[tilespmem:s12], [sflag:$0x1] =	stream.indirect.gather [hbm4b:s4+s15], $0x80, s24, s15, $0xb8;
	[tilespmem:$0x1D000] =	vst v63  }
0xac: {  	_ = 	snop  }
0xad: {  	[tilespmem:s16], [sflag:$0x1] =	stream.indirect.gather [hbm4b:s4+s15], $0x80, s25, s15, $0xb8;
	[tilespmem:$0x1D000] =	vst v63  }
0xae: {  	_ =	swait.ge [sflag:s17], $0x4000  }
0xaf: {  	[sflag:s17] =	ssyncset.done $0x0  }
0xb0: {  	[sflag:s17] =	ssyncadd.s32 $0xFFFFC000  }
0xb1: {  	_ =	swait.ge [sflag:s17], $0x4000  }
0xb2: {  	[sflag:s17] =	ssyncset.done $0x0  }
0xb3: {  	[sflag:s17] =	ssyncadd.s32 $0xFFFFC000  }
0xb4: {  	[spmem:s2] =	stream.indirect.scatter.add.f32 [tilespmem:s12], [sflag:$0x2], $0x80, s26, s15, $0xb8;
	[tilespmem:$0x1D000] =	vst v63  }
0xb5: {  	_ = 	snop  }
0xb6: {  	[spmem:s2] =	stream.indirect.scatter.add.f32 [tilespmem:s16], [sflag:$0x2], $0x80, s28, s15, $0xb8;
	[tilespmem:$0x1D000] =	vst v63  }
0xb7: {  	_ =	swait.ge [sflag:s18], $0x4000  }
0xb8: {  	[sflag:s18] =	ssyncset.done $0x0  }
0xb9: {  	[sflag:s18] =	ssyncadd.s32 $0xFFFFC000  }
0xba: {  	_ =	swait.ge [sflag:s18], $0x4000  }
0xbb: {  	[sflag:s18] =	ssyncset.done $0x0  }
0xbc: {  	[sflag:s18] =	ssyncadd.s32 $0xFFFFC000  }
0xbd: {  	[tilespmem:s12], [sflag:$0x1] =	stream.indirect.gather [hbm4b:s4+s15], $0x80, s29, s15, $0xb8;
	[tilespmem:$0x1D000] =	vst v63  }
0xbe: {  	_ = 	snop  }
0xbf: {  	[tilespmem:s16], [sflag:$0x1] =	stream.indirect.gather [hbm4b:s4+s15], $0x80, s30, s15, $0xb8;
	[tilespmem:$0x1D000] =	vst v63  }
0xc0: {  	_ =	swait.ge [sflag:s17], $0x4000  }
0xc1: {  	[sflag:s17] =	ssyncset.done $0x0  }
0xc2: {  	[sflag:s17] =	ssyncadd.s32 $0xFFFFC000  }
0xc3: {  	_ =	swait.ge [sflag:s17], $0x4000  }
0xc4: {  	[sflag:s17] =	ssyncset.done $0x0  }
0xc5: {  	[sflag:s17] =	ssyncadd.s32 $0xFFFFC000  }
0xc6: {  	[spmem:s2] =	stream.indirect.scatter.add.f32 [tilespmem:s12], [sflag:$0x2], $0x80, s31, s15, $0xb8;
	[tilespmem:$0x1D000] =	vst v63  }
0xc7: {  	_ = 	snop  }
0xc8: {  	[spmem:s2] =	stream.indirect.scatter.add.f32 [tilespmem:s16], [sflag:$0x2], $0x80, s1, s15, $0xb8;
	[tilespmem:$0x1D000] =	vst v63  }
0xc9: {  	_ =	swait.ge [sflag:s18], $0x4000  }
0xca: {  	[sflag:s18] =	ssyncset.done $0x0  }
0xcb: {  	[sflag:s18] =	ssyncadd.s32 $0xFFFFC000  }
0xcc: {  	_ =	swait.ge [sflag:s18], $0x4000  }
0xcd: {  	[sflag:s18] =	ssyncset.done $0x0  }
0xce: {  	[sflag:s18] =	ssyncadd.s32 $0xFFFFC000  }
0xcf: {  	[tilespmem:s12], [sflag:$0x1] =	stream.indirect.gather [hbm4b:s4+s15], $0x80, s0, s15, $0xb8;
	[tilespmem:$0x1D000] =	vst v63  }
0xd0: {  	_ = 	snop  }
0xd1: {  	[tilespmem:s16], [sflag:$0x1] =	stream.indirect.gather [hbm4b:s4+s15], $0x80, s6, s15, $0xb8;
	[tilespmem:$0x1D000] =	vst v63  }
0xd2: {  	_ =	swait.ge [sflag:s17], $0x4000  }
0xd3: {  	[sflag:s17] =	ssyncset.done $0x0  }
0xd4: {  	[sflag:s17] =	ssyncadd.s32 $0xFFFFC000  }
0xd5: {  	_ =	swait.ge [sflag:s17], $0x4000  }
0xd6: {  	[sflag:s17] =	ssyncset.done $0x0  }
0xd7: {  	[sflag:s17] =	ssyncadd.s32 $0xFFFFC000  }
0xd8: {  	[spmem:s2] =	stream.indirect.scatter.add.f32 [tilespmem:s12], [sflag:$0x2], $0x80, s7, s15, $0xb8;
	[tilespmem:$0x1D000] =	vst v63  }
0xd9: {  	_ = 	snop  }
0xda: {  	[spmem:s2] =	stream.indirect.scatter.add.f32 [tilespmem:s16], [sflag:$0x2], $0x80, s8, s15, $0xb8;
	[tilespmem:$0x1D000] =	vst v63  }
0xdb: {  	_ =	swait.ge [sflag:s18], $0x4000  }
0xdc: {  	[sflag:s18] =	ssyncset.done $0x0  }
0xdd: {  	[sflag:s18] =	ssyncadd.s32 $0xFFFFC000  }
0xde: {  	s10 =	simm.s32 $0x100;
	_ =	swait.ge [sflag:s18], $0x4000  }
0xdf: {  	s11 =	simm.s32 $0x200;
	s5 =	rddreg [dreg:$0x5];
	[sflag:s18] =	ssyncset.done $0x0  }
.LBB2_4:
0xe0: {  	[sflag:s18] =	ssyncadd.s32 $0xFFFFC000;
	s5 =	sadd.s32 s10, s5  }
0xe1: {  	[tilespmem:s3], [sflag:$0x3] =	stream.linear.gather [hbm4b:s5+s3], $0x800, $0x38;
	[tilespmem:$0x1D000] =	vst v63  }
0xe2: {  	_ =	swait.ge [sflag:s13], $0x800  }
0xe3: {  	s5 =	rddreg [dreg:$0x4];
	[sflag:s13] =	ssyncset.done $0x0  }
0xe4: {  	[sflag:s13] =	ssyncadd.s32 $0xFFFFF800;
	s5 =	sadd.s32 s10, s5  }
0xe5: {  	[tilespmem:s14], [sflag:$0x3] =	stream.linear.gather [hbm4b:s5+s3], $0x800, $0x38;
	[tilespmem:$0x1D000] =	vst v63  }
0xe6: {  	_ =	swait.ge [sflag:s13], $0x800  }
0xe7: {  	[sflag:s13] =	ssyncset.done $0x0  }
0xe8: {  	[sflag:s13] =	ssyncadd.s32 $0xFFFFF800  }
0xe9: {  	[tilespmem:s12], [sflag:$0x1] =	stream.indirect.gather [hbm4b:s4+s15], $0x80, s3, s15, $0xb8;
	[tilespmem:$0x1D000] =	vst v63  }
0xea: {  	_ = 	snop  }
0xeb: {  	[tilespmem:s16], [sflag:$0x1] =	stream.indirect.gather [hbm4b:s4+s15], $0x80, s15, s15, $0xb8;
	[tilespmem:$0x1D000] =	vst v63  }
0xec: {  	_ =	swait.ge [sflag:s17], $0x4000  }
0xed: {  	[sflag:s17] =	ssyncset.done $0x0  }
0xee: {  	[sflag:s17] =	ssyncadd.s32 $0xFFFFC000  }
0xef: {  	_ =	swait.ge [sflag:s17], $0x4000  }
0xf0: {  	[sflag:s17] =	ssyncset.done $0x0  }
0xf1: {  	s9 =	smov.u32 s11;
	[sflag:s17] =	ssyncadd.s32 $0xFFFFC000  }
0xf2: {  	[spmem:s2] =	stream.indirect.scatter.add.f32 [tilespmem:s12], [sflag:$0x2], $0x80, s14, s15, $0xb8;
	[tilespmem:$0x1D000] =	vst v63  }
0xf3: {  	s10 =	smov.u32 s9;
	s9 =	rddreg [dreg:$0x6]  }
0xf4: {  	[spmem:s2] =	stream.indirect.scatter.add.f32 [tilespmem:s16], [sflag:$0x2], $0x80, s9, s15, $0xb8;
	[tilespmem:$0x1D000] =	vst v63  }
0xf5: {  	_ =	swait.ge [sflag:s18], $0x4000  }
0xf6: {  	[sflag:s18] =	ssyncset.done $0x0  }
0xf7: {  	[sflag:s18] =	ssyncadd.s32 $0xFFFFC000  }
0xf8: {  	_ =	swait.ge [sflag:s18], $0x4000  }
0xf9: {  	[sflag:s18] =	ssyncset.done $0x0  }
0xfa: {  	s5 =	rddreg [dreg:$0x7];
	[sflag:s18] =	ssyncadd.s32 $0xFFFFC000  }
0xfb: {  	[tilespmem:s12], [sflag:$0x1] =	stream.indirect.gather [hbm4b:s4+s15], $0x80, s5, s15, $0xb8;
	[tilespmem:$0x1D000] =	vst v63  }
0xfc: {  	s9 =	rddreg [dreg:$0x8]  }
0xfd: {  	[tilespmem:s16], [sflag:$0x1] =	stream.indirect.gather [hbm4b:s4+s15], $0x80, s9, s15, $0xb8;
	[tilespmem:$0x1D000] =	vst v63  }
0xfe: {  	_ =	swait.ge [sflag:s17], $0x4000  }
0xff: {  	[sflag:s17] =	ssyncset.done $0x0  }
0x100: {  	[sflag:s17] =	ssyncadd.s32 $0xFFFFC000  }
0x101: {  	_ =	swait.ge [sflag:s17], $0x4000  }
0x102: {  	[sflag:s17] =	ssyncset.done $0x0  }
0x103: {  	s5 =	rddreg [dreg:$0x9];
	[sflag:s17] =	ssyncadd.s32 $0xFFFFC000  }
0x104: {  	[spmem:s2] =	stream.indirect.scatter.add.f32 [tilespmem:s12], [sflag:$0x2], $0x80, s5, s15, $0xb8;
	[tilespmem:$0x1D000] =	vst v63  }
0x105: {  	s9 =	rddreg [dreg:$0xa]  }
0x106: {  	[spmem:s2] =	stream.indirect.scatter.add.f32 [tilespmem:s16], [sflag:$0x2], $0x80, s9, s15, $0xb8;
	[tilespmem:$0x1D000] =	vst v63  }
0x107: {  	_ =	swait.ge [sflag:s18], $0x4000  }
0x108: {  	[sflag:s18] =	ssyncset.done $0x0  }
0x109: {  	[sflag:s18] =	ssyncadd.s32 $0xFFFFC000  }
0x10a: {  	_ =	swait.ge [sflag:s18], $0x4000  }
0x10b: {  	[sflag:s18] =	ssyncset.done $0x0  }
0x10c: {  	s5 =	rddreg [dreg:$0xb];
	[sflag:s18] =	ssyncadd.s32 $0xFFFFC000  }
0x10d: {  	[tilespmem:s12], [sflag:$0x1] =	stream.indirect.gather [hbm4b:s4+s15], $0x80, s5, s15, $0xb8;
	[tilespmem:$0x1D000] =	vst v63  }
0x10e: {  	s9 =	rddreg [dreg:$0xc]  }
0x10f: {  	[tilespmem:s16], [sflag:$0x1] =	stream.indirect.gather [hbm4b:s4+s15], $0x80, s9, s15, $0xb8;
	[tilespmem:$0x1D000] =	vst v63  }
0x110: {  	_ =	swait.ge [sflag:s17], $0x4000  }
0x111: {  	[sflag:s17] =	ssyncset.done $0x0  }
0x112: {  	[sflag:s17] =	ssyncadd.s32 $0xFFFFC000  }
0x113: {  	_ =	swait.ge [sflag:s17], $0x4000  }
0x114: {  	[sflag:s17] =	ssyncset.done $0x0  }
0x115: {  	s5 =	rddreg [dreg:$0xd];
	[sflag:s17] =	ssyncadd.s32 $0xFFFFC000  }
0x116: {  	[spmem:s2] =	stream.indirect.scatter.add.f32 [tilespmem:s12], [sflag:$0x2], $0x80, s5, s15, $0xb8;
	[tilespmem:$0x1D000] =	vst v63  }
0x117: {  	s9 =	rddreg [dreg:$0xe]  }
0x118: {  	[spmem:s2] =	stream.indirect.scatter.add.f32 [tilespmem:s16], [sflag:$0x2], $0x80, s9, s15, $0xb8;
	[tilespmem:$0x1D000] =	vst v63  }
0x119: {  	_ =	swait.ge [sflag:s18], $0x4000  }
0x11a: {  	[sflag:s18] =	ssyncset.done $0x0  }
0x11b: {  	[sflag:s18] =	ssyncadd.s32 $0xFFFFC000  }
0x11c: {  	_ =	swait.ge [sflag:s18], $0x4000  }
0x11d: {  	[sflag:s18] =	ssyncset.done $0x0  }
0x11e: {  	s5 =	rddreg [dreg:$0xf];
	[sflag:s18] =	ssyncadd.s32 $0xFFFFC000  }
0x11f: {  	[tilespmem:s12], [sflag:$0x1] =	stream.indirect.gather [hbm4b:s4+s15], $0x80, s5, s15, $0xb8;
	[tilespmem:$0x1D000] =	vst v63  }
0x120: {  	s9 =	rddreg [dreg:$0x10]  }
0x121: {  	[tilespmem:s16], [sflag:$0x1] =	stream.indirect.gather [hbm4b:s4+s15], $0x80, s9, s15, $0xb8;
	[tilespmem:$0x1D000] =	vst v63  }
0x122: {  	_ =	swait.ge [sflag:s17], $0x4000  }
0x123: {  	[sflag:s17] =	ssyncset.done $0x0  }
0x124: {  	[sflag:s17] =	ssyncadd.s32 $0xFFFFC000  }
0x125: {  	_ =	swait.ge [sflag:s17], $0x4000  }
0x126: {  	[sflag:s17] =	ssyncset.done $0x0  }
0x127: {  	s9 =	rddreg [dreg:$0x11];
	[sflag:s17] =	ssyncadd.s32 $0xFFFFC000  }
0x128: {  	[spmem:s2] =	stream.indirect.scatter.add.f32 [tilespmem:s12], [sflag:$0x2], $0x80, s9, s15, $0xb8;
	[tilespmem:$0x1D000] =	vst v63  }
0x129: {  	_ = 	snop  }
0x12a: {  	[spmem:s2] =	stream.indirect.scatter.add.f32 [tilespmem:s16], [sflag:$0x2], $0x80, s19, s15, $0xb8;
	[tilespmem:$0x1D000] =	vst v63  }
0x12b: {  	_ =	swait.ge [sflag:s18], $0x4000  }
0x12c: {  	[sflag:s18] =	ssyncset.done $0x0  }
0x12d: {  	[sflag:s18] =	ssyncadd.s32 $0xFFFFC000  }
0x12e: {  	_ =	swait.ge [sflag:s18], $0x4000  }
0x12f: {  	[sflag:s18] =	ssyncset.done $0x0  }
0x130: {  	[sflag:s18] =	ssyncadd.s32 $0xFFFFC000  }
0x131: {  	[tilespmem:s12], [sflag:$0x1] =	stream.indirect.gather [hbm4b:s4+s15], $0x80, s20, s15, $0xb8;
	[tilespmem:$0x1D000] =	vst v63  }
0x132: {  	_ = 	snop  }
0x133: {  	[tilespmem:s16], [sflag:$0x1] =	stream.indirect.gather [hbm4b:s4+s15], $0x80, s21, s15, $0xb8;
	[tilespmem:$0x1D000] =	vst v63  }
0x134: {  	_ =	swait.ge [sflag:s17], $0x4000  }
0x135: {  	[sflag:s17] =	ssyncset.done $0x0  }
0x136: {  	[sflag:s17] =	ssyncadd.s32 $0xFFFFC000  }
0x137: {  	_ =	swait.ge [sflag:s17], $0x4000  }
0x138: {  	[sflag:s17] =	ssyncset.done $0x0  }
0x139: {  	[sflag:s17] =	ssyncadd.s32 $0xFFFFC000  }
0x13a: {  	[spmem:s2] =	stream.indirect.scatter.add.f32 [tilespmem:s12], [sflag:$0x2], $0x80, s22, s15, $0xb8;
	[tilespmem:$0x1D000] =	vst v63  }
0x13b: {  	_ = 	snop  }
0x13c: {  	[spmem:s2] =	stream.indirect.scatter.add.f32 [tilespmem:s16], [sflag:$0x2], $0x80, s23, s15, $0xb8;
	[tilespmem:$0x1D000] =	vst v63  }
0x13d: {  	_ =	swait.ge [sflag:s18], $0x4000  }
0x13e: {  	[sflag:s18] =	ssyncset.done $0x0  }
0x13f: {  	[sflag:s18] =	ssyncadd.s32 $0xFFFFC000  }
0x140: {  	_ =	swait.ge [sflag:s18], $0x4000  }
0x141: {  	[sflag:s18] =	ssyncset.done $0x0  }
0x142: {  	[sflag:s18] =	ssyncadd.s32 $0xFFFFC000  }
0x143: {  	[tilespmem:s12], [sflag:$0x1] =	stream.indirect.gather [hbm4b:s4+s15], $0x80, s24, s15, $0xb8;
	[tilespmem:$0x1D000] =	vst v63  }
0x144: {  	_ = 	snop  }
0x145: {  	[tilespmem:s16], [sflag:$0x1] =	stream.indirect.gather [hbm4b:s4+s15], $0x80, s25, s15, $0xb8;
	[tilespmem:$0x1D000] =	vst v63  }
0x146: {  	_ =	swait.ge [sflag:s17], $0x4000  }
0x147: {  	[sflag:s17] =	ssyncset.done $0x0  }
0x148: {  	[sflag:s17] =	ssyncadd.s32 $0xFFFFC000  }
0x149: {  	_ =	swait.ge [sflag:s17], $0x4000  }
0x14a: {  	[sflag:s17] =	ssyncset.done $0x0  }
0x14b: {  	[sflag:s17] =	ssyncadd.s32 $0xFFFFC000  }
0x14c: {  	[spmem:s2] =	stream.indirect.scatter.add.f32 [tilespmem:s12], [sflag:$0x2], $0x80, s26, s15, $0xb8;
	[tilespmem:$0x1D000] =	vst v63  }
0x14d: {  	_ = 	snop  }
0x14e: {  	[spmem:s2] =	stream.indirect.scatter.add.f32 [tilespmem:s16], [sflag:$0x2], $0x80, s28, s15, $0xb8;
	[tilespmem:$0x1D000] =	vst v63  }
0x14f: {  	_ =	swait.ge [sflag:s18], $0x4000  }
0x150: {  	[sflag:s18] =	ssyncset.done $0x0  }
0x151: {  	[sflag:s18] =	ssyncadd.s32 $0xFFFFC000  }
0x152: {  	_ =	swait.ge [sflag:s18], $0x4000  }
0x153: {  	[sflag:s18] =	ssyncset.done $0x0  }
0x154: {  	[sflag:s18] =	ssyncadd.s32 $0xFFFFC000  }
0x155: {  	[tilespmem:s12], [sflag:$0x1] =	stream.indirect.gather [hbm4b:s4+s15], $0x80, s29, s15, $0xb8;
	[tilespmem:$0x1D000] =	vst v63  }
0x156: {  	_ = 	snop  }
0x157: {  	[tilespmem:s16], [sflag:$0x1] =	stream.indirect.gather [hbm4b:s4+s15], $0x80, s30, s15, $0xb8;
	[tilespmem:$0x1D000] =	vst v63  }
0x158: {  	_ =	swait.ge [sflag:s17], $0x4000  }
0x159: {  	[sflag:s17] =	ssyncset.done $0x0  }
0x15a: {  	[sflag:s17] =	ssyncadd.s32 $0xFFFFC000  }
0x15b: {  	_ =	swait.ge [sflag:s17], $0x4000  }
0x15c: {  	[sflag:s17] =	ssyncset.done $0x0  }
0x15d: {  	[sflag:s17] =	ssyncadd.s32 $0xFFFFC000  }
0x15e: {  	[spmem:s2] =	stream.indirect.scatter.add.f32 [tilespmem:s12], [sflag:$0x2], $0x80, s31, s15, $0xb8;
	[tilespmem:$0x1D000] =	vst v63  }
0x15f: {  	_ = 	snop  }
0x160: {  	[spmem:s2] =	stream.indirect.scatter.add.f32 [tilespmem:s16], [sflag:$0x2], $0x80, s1, s15, $0xb8;
	[tilespmem:$0x1D000] =	vst v63  }
0x161: {  	_ =	swait.ge [sflag:s18], $0x4000  }
0x162: {  	[sflag:s18] =	ssyncset.done $0x0  }
0x163: {  	[sflag:s18] =	ssyncadd.s32 $0xFFFFC000  }
0x164: {  	_ =	swait.ge [sflag:s18], $0x4000  }
0x165: {  	[sflag:s18] =	ssyncset.done $0x0  }
0x166: {  	[sflag:s18] =	ssyncadd.s32 $0xFFFFC000  }
0x167: {  	[tilespmem:s12], [sflag:$0x1] =	stream.indirect.gather [hbm4b:s4+s15], $0x80, s0, s15, $0xb8;
	[tilespmem:$0x1D000] =	vst v63  }
0x168: {  	_ = 	snop  }
0x169: {  	[tilespmem:s16], [sflag:$0x1] =	stream.indirect.gather [hbm4b:s4+s15], $0x80, s6, s15, $0xb8;
	[tilespmem:$0x1D000] =	vst v63  }
0x16a: {  	_ =	swait.ge [sflag:s17], $0x4000  }
0x16b: {  	[sflag:s17] =	ssyncset.done $0x0  }
0x16c: {  	[sflag:s17] =	ssyncadd.s32 $0xFFFFC000  }
0x16d: {  	_ =	swait.ge [sflag:s17], $0x4000  }
0x16e: {  	[sflag:s17] =	ssyncset.done $0x0  }
0x16f: {  	[sflag:s17] =	ssyncadd.s32 $0xFFFFC000  }
0x170: {  	[spmem:s2] =	stream.indirect.scatter.add.f32 [tilespmem:s12], [sflag:$0x2], $0x80, s7, s15, $0xb8;
	[tilespmem:$0x1D000] =	vst v63  }
0x171: {  	p0 =	sne.s32 s11, $0x400  }
0x172: {  	[spmem:s2] =	stream.indirect.scatter.add.f32 [tilespmem:s16], [sflag:$0x2], $0x80, s8, s15, $0xb8;
	[tilespmem:$0x1D000] =	vst v63  }
.Ltmp1:
0x173: {  	_ =	swait.ge [sflag:s18], $0x4000;
	(pc) =	sbr.rel @p0 .LBB2_4-.Ltmp1, $4  }
0x174: {  	[sflag:s18] =	ssyncset.done $0x0  }
0x175: {  	[sflag:s18] =	ssyncadd.s32 $0xFFFFC000  }
0x176: {  	_ =	swait.ge [sflag:s18], $0x4000  }
0x177: {  	s11 =	sadd.s32 $0x100, s11;
	s5 =	rddreg [dreg:$0x5];
	[sflag:s18] =	ssyncset.done $0x0  }
0x178: {  	[sflag:s18] =	ssyncadd.s32 $0xFFFFC000;
	s5 =	sadd.s32 s10, s5  }
0x179: {  	[tilespmem:s3], [sflag:$0x3] =	stream.linear.gather [hbm4b:s5+s3], $0x800, $0x38;
	[tilespmem:$0x1D000] =	vst v63  }
0x17a: {  	_ =	swait.ge [sflag:s13], $0x800  }
0x17b: {  	s9 =	rddreg [dreg:$0x4];
	[sflag:s13] =	ssyncset.done $0x0  }
0x17c: {  	[sflag:s13] =	ssyncadd.s32 $0xFFFFF800;
	s5 =	sadd.s32 s10, s9  }
0x17d: {  	[tilespmem:s14], [sflag:$0x3] =	stream.linear.gather [hbm4b:s5+s3], $0x800, $0x38;
	[tilespmem:$0x1D000] =	vst v63  }
0x17e: {  	_ =	swait.ge [sflag:s13], $0x800  }
0x17f: {  	[sflag:s13] =	ssyncset.done $0x0  }
0x180: {  	[sflag:s13] =	ssyncadd.s32 $0xFFFFF800  }
0x181: {  	[tilespmem:s12], [sflag:$0x1] =	stream.indirect.gather [hbm4b:s4+s15], $0x80, s3, s15, $0xb8;
	[tilespmem:$0x1D000] =	vst v63  }
0x182: {  	_ = 	snop  }
0x183: {  	[tilespmem:s16], [sflag:$0x1] =	stream.indirect.gather [hbm4b:s4+s15], $0x80, s15, s15, $0xb8;
	[tilespmem:$0x1D000] =	vst v63  }
0x184: {  	_ =	swait.ge [sflag:s17], $0x4000  }
0x185: {  	[sflag:s17] =	ssyncset.done $0x0  }
0x186: {  	[sflag:s17] =	ssyncadd.s32 $0xFFFFC000  }
0x187: {  	_ =	swait.ge [sflag:s17], $0x4000  }
0x188: {  	[sflag:s17] =	ssyncset.done $0x0  }
0x189: {  	[sflag:s17] =	ssyncadd.s32 $0xFFFFC000  }
0x18a: {  	[spmem:s2] =	stream.indirect.scatter.add.f32 [tilespmem:s12], [sflag:$0x2], $0x80, s14, s15, $0xb8;
	[tilespmem:$0x1D000] =	vst v63  }
0x18b: {  	s10 =	rddreg [dreg:$0x6]  }
0x18c: {  	[spmem:s2] =	stream.indirect.scatter.add.f32 [tilespmem:s16], [sflag:$0x2], $0x80, s10, s15, $0xb8;
	[tilespmem:$0x1D000] =	vst v63  }
0x18d: {  	_ =	swait.ge [sflag:s18], $0x4000  }
0x18e: {  	[sflag:s18] =	ssyncset.done $0x0  }
0x18f: {  	[sflag:s18] =	ssyncadd.s32 $0xFFFFC000  }
0x190: {  	_ =	swait.ge [sflag:s18], $0x4000  }
0x191: {  	[sflag:s18] =	ssyncset.done $0x0  }
0x192: {  	s11 =	rddreg [dreg:$0x7];
	[sflag:s18] =	ssyncadd.s32 $0xFFFFC000  }
0x193: {  	[tilespmem:s12], [sflag:$0x1] =	stream.indirect.gather [hbm4b:s4+s15], $0x80, s11, s15, $0xb8;
	[tilespmem:$0x1D000] =	vst v63  }
0x194: {  	s9 =	rddreg [dreg:$0x8]  }
0x195: {  	[tilespmem:s16], [sflag:$0x1] =	stream.indirect.gather [hbm4b:s4+s15], $0x80, s9, s15, $0xb8;
	[tilespmem:$0x1D000] =	vst v63  }
0x196: {  	_ =	swait.ge [sflag:s17], $0x4000  }
0x197: {  	[sflag:s17] =	ssyncset.done $0x0  }
0x198: {  	[sflag:s17] =	ssyncadd.s32 $0xFFFFC000  }
0x199: {  	_ =	swait.ge [sflag:s17], $0x4000  }
0x19a: {  	[sflag:s17] =	ssyncset.done $0x0  }
0x19b: {  	s10 =	rddreg [dreg:$0x9];
	[sflag:s17] =	ssyncadd.s32 $0xFFFFC000  }
0x19c: {  	[spmem:s2] =	stream.indirect.scatter.add.f32 [tilespmem:s12], [sflag:$0x2], $0x80, s10, s15, $0xb8;
	[tilespmem:$0x1D000] =	vst v63  }
0x19d: {  	s11 =	rddreg [dreg:$0xa]  }
0x19e: {  	[spmem:s2] =	stream.indirect.scatter.add.f32 [tilespmem:s16], [sflag:$0x2], $0x80, s11, s15, $0xb8;
	[tilespmem:$0x1D000] =	vst v63  }
0x19f: {  	_ =	swait.ge [sflag:s18], $0x4000  }
0x1a0: {  	[sflag:s18] =	ssyncset.done $0x0  }
0x1a1: {  	[sflag:s18] =	ssyncadd.s32 $0xFFFFC000  }
0x1a2: {  	_ =	swait.ge [sflag:s18], $0x4000  }
0x1a3: {  	[sflag:s18] =	ssyncset.done $0x0  }
0x1a4: {  	s10 =	rddreg [dreg:$0xb];
	[sflag:s18] =	ssyncadd.s32 $0xFFFFC000  }
0x1a5: {  	[tilespmem:s12], [sflag:$0x1] =	stream.indirect.gather [hbm4b:s4+s15], $0x80, s10, s15, $0xb8;
	[tilespmem:$0x1D000] =	vst v63  }
0x1a6: {  	s11 =	rddreg [dreg:$0xc]  }
0x1a7: {  	[tilespmem:s16], [sflag:$0x1] =	stream.indirect.gather [hbm4b:s4+s15], $0x80, s11, s15, $0xb8;
	[tilespmem:$0x1D000] =	vst v63  }
0x1a8: {  	_ =	swait.ge [sflag:s17], $0x4000  }
0x1a9: {  	[sflag:s17] =	ssyncset.done $0x0  }
0x1aa: {  	[sflag:s17] =	ssyncadd.s32 $0xFFFFC000  }
0x1ab: {  	_ =	swait.ge [sflag:s17], $0x4000  }
0x1ac: {  	[sflag:s17] =	ssyncset.done $0x0  }
0x1ad: {  	s10 =	rddreg [dreg:$0xd];
	[sflag:s17] =	ssyncadd.s32 $0xFFFFC000  }
0x1ae: {  	[spmem:s2] =	stream.indirect.scatter.add.f32 [tilespmem:s12], [sflag:$0x2], $0x80, s10, s15, $0xb8;
	[tilespmem:$0x1D000] =	vst v63  }
0x1af: {  	s11 =	rddreg [dreg:$0xe]  }
0x1b0: {  	[spmem:s2] =	stream.indirect.scatter.add.f32 [tilespmem:s16], [sflag:$0x2], $0x80, s11, s15, $0xb8;
	[tilespmem:$0x1D000] =	vst v63  }
0x1b1: {  	_ =	swait.ge [sflag:s18], $0x4000  }
0x1b2: {  	[sflag:s18] =	ssyncset.done $0x0  }
0x1b3: {  	[sflag:s18] =	ssyncadd.s32 $0xFFFFC000  }
0x1b4: {  	_ =	swait.ge [sflag:s18], $0x4000  }
0x1b5: {  	[sflag:s18] =	ssyncset.done $0x0  }
0x1b6: {  	s9 =	rddreg [dreg:$0xf];
	[sflag:s18] =	ssyncadd.s32 $0xFFFFC000  }
0x1b7: {  	[tilespmem:s12], [sflag:$0x1] =	stream.indirect.gather [hbm4b:s4+s15], $0x80, s9, s15, $0xb8;
	[tilespmem:$0x1D000] =	vst v63  }
0x1b8: {  	s10 =	rddreg [dreg:$0x10]  }
0x1b9: {  	[tilespmem:s16], [sflag:$0x1] =	stream.indirect.gather [hbm4b:s4+s15], $0x80, s10, s15, $0xb8;
	[tilespmem:$0x1D000] =	vst v63  }
0x1ba: {  	_ =	swait.ge [sflag:s17], $0x4000  }
0x1bb: {  	[sflag:s17] =	ssyncset.done $0x0  }
0x1bc: {  	[sflag:s17] =	ssyncadd.s32 $0xFFFFC000  }
0x1bd: {  	_ =	swait.ge [sflag:s17], $0x4000  }
0x1be: {  	[sflag:s17] =	ssyncset.done $0x0  }
0x1bf: {  	s11 =	rddreg [dreg:$0x11];
	[sflag:s17] =	ssyncadd.s32 $0xFFFFC000  }
0x1c0: {  	[spmem:s2] =	stream.indirect.scatter.add.f32 [tilespmem:s12], [sflag:$0x2], $0x80, s11, s15, $0xb8;
	[tilespmem:$0x1D000] =	vst v63  }
0x1c1: {  	_ = 	snop  }
0x1c2: {  	[spmem:s2] =	stream.indirect.scatter.add.f32 [tilespmem:s16], [sflag:$0x2], $0x80, s19, s15, $0xb8;
	[tilespmem:$0x1D000] =	vst v63  }
0x1c3: {  	_ =	swait.ge [sflag:s18], $0x4000  }
0x1c4: {  	[sflag:s18] =	ssyncset.done $0x0  }
0x1c5: {  	[sflag:s18] =	ssyncadd.s32 $0xFFFFC000  }
0x1c6: {  	_ =	swait.ge [sflag:s18], $0x4000  }
0x1c7: {  	[sflag:s18] =	ssyncset.done $0x0  }
0x1c8: {  	[sflag:s18] =	ssyncadd.s32 $0xFFFFC000  }
0x1c9: {  	[tilespmem:s12], [sflag:$0x1] =	stream.indirect.gather [hbm4b:s4+s15], $0x80, s20, s15, $0xb8;
	[tilespmem:$0x1D000] =	vst v63  }
0x1ca: {  	_ = 	snop  }
0x1cb: {  	[tilespmem:s16], [sflag:$0x1] =	stream.indirect.gather [hbm4b:s4+s15], $0x80, s21, s15, $0xb8;
	[tilespmem:$0x1D000] =	vst v63  }
0x1cc: {  	_ =	swait.ge [sflag:s17], $0x4000  }
0x1cd: {  	[sflag:s17] =	ssyncset.done $0x0  }
0x1ce: {  	[sflag:s17] =	ssyncadd.s32 $0xFFFFC000  }
0x1cf: {  	_ =	swait.ge [sflag:s17], $0x4000  }
0x1d0: {  	[sflag:s17] =	ssyncset.done $0x0  }
0x1d1: {  	[sflag:s17] =	ssyncadd.s32 $0xFFFFC000  }
0x1d2: {  	[spmem:s2] =	stream.indirect.scatter.add.f32 [tilespmem:s12], [sflag:$0x2], $0x80, s22, s15, $0xb8;
	[tilespmem:$0x1D000] =	vst v63  }
0x1d3: {  	_ = 	snop  }
0x1d4: {  	[spmem:s2] =	stream.indirect.scatter.add.f32 [tilespmem:s16], [sflag:$0x2], $0x80, s23, s15, $0xb8;
	[tilespmem:$0x1D000] =	vst v63  }
0x1d5: {  	_ =	swait.ge [sflag:s18], $0x4000  }
0x1d6: {  	[sflag:s18] =	ssyncset.done $0x0  }
0x1d7: {  	[sflag:s18] =	ssyncadd.s32 $0xFFFFC000  }
0x1d8: {  	_ =	swait.ge [sflag:s18], $0x4000  }
0x1d9: {  	[sflag:s18] =	ssyncset.done $0x0  }
0x1da: {  	[sflag:s18] =	ssyncadd.s32 $0xFFFFC000  }
0x1db: {  	[tilespmem:s12], [sflag:$0x1] =	stream.indirect.gather [hbm4b:s4+s15], $0x80, s24, s15, $0xb8;
	[tilespmem:$0x1D000] =	vst v63  }
0x1dc: {  	_ = 	snop  }
0x1dd: {  	[tilespmem:s16], [sflag:$0x1] =	stream.indirect.gather [hbm4b:s4+s15], $0x80, s25, s15, $0xb8;
	[tilespmem:$0x1D000] =	vst v63  }
0x1de: {  	_ =	swait.ge [sflag:s17], $0x4000  }
0x1df: {  	[sflag:s17] =	ssyncset.done $0x0  }
0x1e0: {  	[sflag:s17] =	ssyncadd.s32 $0xFFFFC000  }
0x1e1: {  	_ =	swait.ge [sflag:s17], $0x4000  }
0x1e2: {  	[sflag:s17] =	ssyncset.done $0x0  }
0x1e3: {  	[sflag:s17] =	ssyncadd.s32 $0xFFFFC000  }
0x1e4: {  	[spmem:s2] =	stream.indirect.scatter.add.f32 [tilespmem:s12], [sflag:$0x2], $0x80, s26, s15, $0xb8;
	[tilespmem:$0x1D000] =	vst v63  }
0x1e5: {  	_ = 	snop  }
0x1e6: {  	[spmem:s2] =	stream.indirect.scatter.add.f32 [tilespmem:s16], [sflag:$0x2], $0x80, s28, s15, $0xb8;
	[tilespmem:$0x1D000] =	vst v63  }
0x1e7: {  	_ =	swait.ge [sflag:s18], $0x4000  }
0x1e8: {  	[sflag:s18] =	ssyncset.done $0x0  }
0x1e9: {  	[sflag:s18] =	ssyncadd.s32 $0xFFFFC000  }
0x1ea: {  	_ =	swait.ge [sflag:s18], $0x4000  }
0x1eb: {  	[sflag:s18] =	ssyncset.done $0x0  }
0x1ec: {  	[sflag:s18] =	ssyncadd.s32 $0xFFFFC000  }
0x1ed: {  	[tilespmem:s12], [sflag:$0x1] =	stream.indirect.gather [hbm4b:s4+s15], $0x80, s29, s15, $0xb8;
	[tilespmem:$0x1D000] =	vst v63  }
0x1ee: {  	_ = 	snop  }
0x1ef: {  	[tilespmem:s16], [sflag:$0x1] =	stream.indirect.gather [hbm4b:s4+s15], $0x80, s30, s15, $0xb8;
	[tilespmem:$0x1D000] =	vst v63  }
0x1f0: {  	_ =	swait.ge [sflag:s17], $0x4000  }
0x1f1: {  	[sflag:s17] =	ssyncset.done $0x0  }
0x1f2: {  	[sflag:s17] =	ssyncadd.s32 $0xFFFFC000  }
0x1f3: {  	_ =	swait.ge [sflag:s17], $0x4000  }
0x1f4: {  	[sflag:s17] =	ssyncset.done $0x0  }
0x1f5: {  	[sflag:s17] =	ssyncadd.s32 $0xFFFFC000  }
0x1f6: {  	[spmem:s2] =	stream.indirect.scatter.add.f32 [tilespmem:s12], [sflag:$0x2], $0x80, s31, s15, $0xb8;
	[tilespmem:$0x1D000] =	vst v63  }
0x1f7: {  	_ = 	snop  }
0x1f8: {  	[spmem:s2] =	stream.indirect.scatter.add.f32 [tilespmem:s16], [sflag:$0x2], $0x80, s1, s15, $0xb8;
	[tilespmem:$0x1D000] =	vst v63  }
0x1f9: {  	_ =	swait.ge [sflag:s18], $0x4000  }
0x1fa: {  	[sflag:s18] =	ssyncset.done $0x0  }
0x1fb: {  	[sflag:s18] =	ssyncadd.s32 $0xFFFFC000  }
0x1fc: {  	_ =	swait.ge [sflag:s18], $0x4000  }
0x1fd: {  	[sflag:s18] =	ssyncset.done $0x0  }
0x1fe: {  	[sflag:s18] =	ssyncadd.s32 $0xFFFFC000  }
0x1ff: {  	[tilespmem:s12], [sflag:$0x1] =	stream.indirect.gather [hbm4b:s4+s15], $0x80, s0, s15, $0xb8;
	[tilespmem:$0x1D000] =	vst v63  }
0x200: {  	_ = 	snop  }
0x201: {  	[tilespmem:s16], [sflag:$0x1] =	stream.indirect.gather [hbm4b:s4+s15], $0x80, s6, s15, $0xb8;
	[tilespmem:$0x1D000] =	vst v63  }
0x202: {  	_ =	swait.ge [sflag:s17], $0x4000  }
0x203: {  	[sflag:s17] =	ssyncset.done $0x0  }
0x204: {  	[sflag:s17] =	ssyncadd.s32 $0xFFFFC000  }
0x205: {  	_ =	swait.ge [sflag:s17], $0x4000  }
0x206: {  	[sflag:s17] =	ssyncset.done $0x0  }
0x207: {  	[sflag:s17] =	ssyncadd.s32 $0xFFFFC000  }
0x208: {  	[spmem:s2] =	stream.indirect.scatter.add.f32 [tilespmem:s12], [sflag:$0x2], $0x80, s7, s15, $0xb8;
	[tilespmem:$0x1D000] =	vst v63  }
0x209: {  	_ = 	snop  }
0x20a: {  	[spmem:s2] =	stream.indirect.scatter.add.f32 [tilespmem:s16], [sflag:$0x2], $0x80, s8, s15, $0xb8;
	[tilespmem:$0x1D000] =	vst v63  }
0x20b: {  	_ =	swait.ge [sflag:s18], $0x4000  }
0x20c: {  	[sflag:s18] =	ssyncset.done $0x0  }
0x20d: {  	[sflag:s18] =	ssyncadd.s32 $0xFFFFC000  }
0x20e: {  	_ =	swait.ge [sflag:s18], $0x4000  }
0x20f: {  	[sflag:s18] =	ssyncset.done $0x0  }
0x210: {  	[sflag:s18] =	ssyncadd.s32 $0xFFFFC000  }
0x211: {  	s9 =	stileid.u32;
	[bflag:$0x0] =	sbarrier.arrive $0xFFFF  }
0x212: {  	s5 =	sshll.u32 s9, $0x6;
	s10 =	rddreg [dreg:$0x12]  }
0x213: {  	s5 =	sor.u32 $0x1C03, s5;
	s11 =	rddreg [dreg:$0x13];
	s9 =	sshrl.u32 s10, $0x3  }
0x214: {  	[hbm:s11], [sflag:s5] =	dma.local [spmem:s9], $0x2800  }
0x215: {  	_ =	swait.ge [sflag:s13], $0x2800  }
0x216: {  	s10 =	rddreg [dreg:$0x19]  }
0x217: {  	s11 =	rddreg [dreg:$0x14];
	s9 =	sadd.s32 $0x1, s10  }
0x218: {  	p0 =	sne.s32 s9, s11  }
.Ltmp2:
0x219: {  	_ = 	snop;
	(pc) =	sbr.rel @p0 .LBB2_1-.Ltmp2, $3  }
0x21a: {  	_ =	sdelay $0x1  }
0x21b: {  	[sflag:s13] =	ssyncset.done $0x0  }
0x21c: {  	[sflag:s13] =	ssyncadd.s32 $0xFFFFD800  }
0x21d: {  	_ =	sfence.sel $0x180000  }
0x21e: {  	[bflag:$0x0] =	sbarrier.arrive $0xFFFF  }
0x21f: {  	_ =	strace $0x9000004D  }
0x220: {  	s0 =	stileid.u32;
	[bflag:$0x2] =	sbarrier.arrive $0xFFFF  }
0x221: {  	p0 =	sne.s32 s0, $0x0;
	s0 =	rddreg [dreg:$0x3]  }
0x222: {  	s0 =	sadd.s32 @!p0 $0x100000, s0  }
0x223: {  	[sflag:s0] =	ssyncadd.tile.s32 @!p0 $0x1;
	_ =	shalt  }
.Lfunc_end2:
_tile_overlayer_lowered:
.L_overlay_start_2:
0x224: {  	(tag) =	ssettag $0x2  }
0x225: {  	s0 =	rddreg [dreg:$0x0];
	s2 =	stileid.u32  }
0x226: {  	s1 =	rddreg [dreg:$0x1];
	p0 =	sne.s32 s2, $0x0  }
0x227: {  	s3 =	rddreg [dreg:$0x2];
	[bflag:$0x3] =	sbarrier.arrive $0xFFFF;
	s2 =	simm.s32 @!p0 $0x1C03  }
0x228: {  	[timem:s3], [sflag:s2] =	dma.local @!p0 [hbm:s0], s1  }
0x229: {  	s0 =	simm.s32 @!p0 $0x3  }
0x22a: {  	_ =	swait.ge @!p0 [sflag:s0], s1  }
0x22b: {  	s1 =	ssub.s32 @!p0 $0x0, s1;
	[sflag:s0] =	ssyncset.done @!p0 $0x0  }
0x22c: {  	[sflag:s0] =	ssyncadd.s32 @!p0 s1  }
0x22d: {  	[bflag:$0x3] =	sbarrier.arrive $0xFFFF  }
0x22e: {  	_ =	shalt  }

// kernel: kernel.8.cloned.1.call-start
scs
__scs_entry_jumppad:
0x0: {  	(pc) =	sbr.rel $0x88, $3  }
0x1: {  	(tag) =	ssettag $0x0;
	lr =	simm.s32 $0x1  }
0x2: {  	[smem:$0x3F9B] =	sst lr;
	_ =	strace $0xD0000000  }
0x3: {  	_ = 	snop  }
0x4: {  	_ = 	snop  }
0x5: {  	_ = 	snop  }
0x6: {  	_ = 	snop  }
0x7: {  	_ = 	snop  }
__scs_overlays_trampoline_lowered:
0x8: {  	[smem:$0x3FAA] =	sst s0  }
0x9: {  	[smem:$0x3FAB] =	sst s1  }
0xa: {  	[smem:$0x3FAC] =	sst s2  }
0xb: {  	[smem:$0x3FAD] =	sst s3  }
0xc: {  	[smem:$0x3FAE] =	sst s4  }
0xd: {  	[smem:$0x3FAF] =	sst s5  }
0xe: {  	[smem:$0x3FB0] =	sst s6  }
0xf: {  	[smem:$0x3FB1] =	sst s7  }
0x10: {  	[smem:$0x3FB2] =	sst s8  }
0x11: {  	[smem:$0x3FB3] =	sst s9;
	s0 =	simm.s32 @!p0 $0x0  }
0x12: {  	s1 =	sld [smem:$0x3F99];
	s0 =	simm.s32 @p0 $0x1  }
0x13: {  	[smem:$0x3FB4] =	sst s0;
	s0 =	simm.s32 @!p1 $0x0  }
0x14: {  	s2 =	sld [smem:$0x3F98];
	s0 =	simm.s32 @p1 $0x1  }
0x15: {  	[smem:$0x3FB5] =	sst s0;
	s0 =	simm.s32 @!p2 $0x0  }
0x16: {  	s3 =	sld [smem:$0x3FDB];
	s0 =	simm.s32 @p2 $0x1  }
0x17: {  	s4 =	simm.s32 $0x1BF5;
	[smem:$0x3FB7] =	sst s0  }
0x18: {  	s0 =	sld [smem:$0x3F9A];
	_ =	swait.ge [sflag:s4], $0x0  }
0x19: {  	s7 =	sld [smem:$0x3F9B]  }
0x1a: {  	s8 =	sadd.s32 $0xFFFFE003, lr  }
0x1b: {  	s9 =	sadd.s32 $0xFFFFFEF7, lr;
	s5 =	simm.s32 $0xFFFFFFFF;
	p2 =	slt.u32 s8, $0xFFFFF086  }
0x1c: {  	p1 =	slt.u32 s9, $0xF7A;
	s5 =	simm.s32 @!p2 $0x0  }
0x1d: {  	s5 =	simm.s32 @p1 $0x1;
	p0 =	seq.s32 s7, s2  }
0x1e: {  	s7 =	smul.u32 @!p0 $0xF7A, s2;
	p2 =	seq.s32 @!p0 s5, $0x0  }
0x1f: {  	s9 =	smul.u32 $0xF7A, s1;
	s8 =	simm.s32 @!p0 $0x1BF5;
	p2 =	por !p2, p0  }
0x20: {  	[sflag:s8] =	ssyncset.s32 @!p0 $0xFFFFF086;
	s6 =	sadd.s32 @!p0 s3, s7;
	s7 =	simm.s32 @!p0 $0x108  }
0x21: {  	s3 =	sadd.s32 s3, s9;
	s6 =	sadd.s32 @!p0 $0x88, s6;
	s7 =	simm.s32 @p2 $0x1082  }
0x22: {  	[simem:s7], [sflag:s8] =	dma.local @!p0 [hbm:s6], $0xF7A  }
0x23: {  	s9 =	sor.u32 $0xD0000000, s2;
	s6 =	simm.s32 $0x108;
	_ =	swait.ge @!p0 [sflag:s8], $0x0  }
0x24: {  	s3 =	sadd.s32 $0x88, s3;
	s6 =	simm.s32 @!p1 $0x1082;
	[sflag:s4] =	ssyncset.s32 $0xFFFFF086  }
0x25: {  	[simem:s6], [sflag:s4] =	dma.local [hbm:s3], $0xF7A  }
0x26: {  	[smem:$0x3F9B] =	sst s1;
	(tag) =	ssettag s2;
	_ =	strace s9  }
0x27: {  	s1 =	sld [smem:$0x3FAB]  }
0x28: {  	s2 =	sld [smem:$0x3FAC]  }
0x29: {  	s4 =	sld [smem:$0x3FAE]  }
0x2a: {  	p0 =	seq.s32 s5, $0x0;
	s5 =	sld [smem:$0x3FAF]  }
0x2b: {  	s6 =	sld [smem:$0x3FB0]  }
0x2c: {  	s7 =	sld [smem:$0x3FB1]  }
0x2d: {  	s3 =	simm.s32 $0x108;
	s8 =	sld [smem:$0x3FB2]  }
0x2e: {  	s3 =	simm.s32 @!p0 $0x1082;
	s9 =	sld [smem:$0x3FB3]  }
0x2f: {  	lr =	sadd.s32 s0, s3;
	s0 =	sld [smem:$0x3FAA]  }
0x30: {  	s3 =	sld [smem:$0x3FAD]  }
0x31: {  	[smem:$0x3FB6] =	sst s10  }
0x32: {  	s10 =	sld [smem:$0x3FB4];
	_ =	sdelay $0x3  }
0x33: {  	p0 =	seq.s32 s10, $0x1;
	s10 =	sld [smem:$0x3FB6];
	_ =	sdelay $0x3  }
0x34: {  	[smem:$0x3FB6] =	sst s10  }
0x35: {  	s10 =	sld [smem:$0x3FB5];
	_ =	sdelay $0x3  }
0x36: {  	p1 =	seq.s32 s10, $0x1;
	s10 =	sld [smem:$0x3FB6];
	_ =	sdelay $0x3  }
0x37: {  	[smem:$0x3FB6] =	sst s10  }
0x38: {  	s10 =	sld [smem:$0x3FB7]  }
0x39: {  	_ = 	snop;
	(pc) =	sbr.ind lr, $3  }
0x3a: {  	_ = 	snop  }
0x3b: {  	_ = 	snop  }
0x3c: {  	p2 =	seq.s32 s10, $0x1;
	s10 =	sld [smem:$0x3FB6]  }
0x3d: {  	_ =	shalt  }
0x3e: {  	_ =	shalt  }
0x3f: {  	_ =	shalt  }
0x40: {  	_ =	shalt  }
0x41: {  	_ =	shalt  }
0x42: {  	_ =	shalt  }
0x43: {  	_ =	shalt  }
0x44: {  	_ =	shalt  }
0x45: {  	_ =	shalt  }
0x46: {  	_ =	shalt  }
0x47: {  	_ =	shalt  }
0x48: {  	_ =	shalt  }
0x49: {  	_ =	shalt  }
0x4a: {  	_ =	shalt  }
0x4b: {  	_ =	shalt  }
0x4c: {  	_ =	shalt  }
0x4d: {  	_ =	shalt  }
0x4e: {  	_ =	shalt  }
0x4f: {  	_ =	shalt  }
0x50: {  	_ =	shalt  }
0x51: {  	_ =	shalt  }
0x52: {  	_ =	shalt  }
0x53: {  	_ =	shalt  }
0x54: {  	_ =	shalt  }
0x55: {  	_ =	shalt  }
0x56: {  	_ =	shalt  }
0x57: {  	_ =	shalt  }
0x58: {  	_ =	shalt  }
0x59: {  	_ =	shalt  }
0x5a: {  	_ =	shalt  }
0x5b: {  	_ =	shalt  }
0x5c: {  	_ =	shalt  }
0x5d: {  	_ =	shalt  }
0x5e: {  	_ =	shalt  }
0x5f: {  	_ =	shalt  }
0x60: {  	_ =	shalt  }
0x61: {  	_ =	shalt  }
0x62: {  	_ =	shalt  }
0x63: {  	_ =	shalt  }
0x64: {  	_ =	shalt  }
0x65: {  	_ =	shalt  }
0x66: {  	_ =	shalt  }
0x67: {  	_ =	shalt  }
0x68: {  	_ =	shalt  }
0x69: {  	_ =	shalt  }
0x6a: {  	_ =	shalt  }
0x6b: {  	_ =	shalt  }
0x6c: {  	_ =	shalt  }
0x6d: {  	_ =	shalt  }
0x6e: {  	_ =	shalt  }
0x6f: {  	_ =	shalt  }
0x70: {  	_ =	shalt  }
0x71: {  	_ =	shalt  }
0x72: {  	_ =	shalt  }
0x73: {  	_ =	shalt  }
0x74: {  	_ =	shalt  }
0x75: {  	_ =	shalt  }
0x76: {  	_ =	shalt  }
0x77: {  	_ =	shalt  }
0x78: {  	_ =	shalt  }
0x79: {  	_ =	shalt  }
0x7a: {  	_ =	shalt  }
0x7b: {  	_ =	shalt  }
0x7c: {  	_ =	shalt  }
0x7d: {  	_ =	shalt  }
0x7e: {  	_ =	shalt  }
0x7f: {  	_ =	shalt  }
0x80: {  	_ =	shalt  }
0x81: {  	_ =	shalt  }
0x82: {  	_ =	shalt  }
0x83: {  	_ =	shalt  }
0x84: {  	_ =	shalt  }
0x85: {  	_ =	shalt  }
0x86: {  	_ =	shalt  }
0x87: {  	_ =	shalt  }
.Lfunc_end0:
.L_simem_size_0:
called_computation_lowered:
.L_overlay_start_0:
0x88: {  	s2 =	sld [smem:$0x3FD9]  }
0x89: {  	s3 =	sld [smem:$0x3FFE];
	_ =	sdelay $0x1  }
0x8a: {  	s1 =	srdreg.scid  }
0x8b: {  	s0 =	sand.u32 $0x1, s1  }
0x8c: {  	s16 =	sshll.u32 s0, $0xA;
	s2 =	sadd.s32 s3, s2  }
0x8d: {  	s2 =	sadd.s32 s2, s16  }
0x8e: {  	[smem:$0x3FC2] =	sst s2  }
0x8f: {  	_ = 	snop  }
0x90: {  	(tm) =	ssettm $0x1  }
0x91: {  	s17 =	sld [smem:$0x3FFB];
	_ =	sdelay $0x3  }
0x92: {  	_ =	strace s17  }
0x93: {  	s2 =	sld [smem:$0x3FFC];
	_ =	sdelay $0x3  }
0x94: {  	_ =	strace s2  }
0x95: {  	s2 =	sld [smem:$0x3FFD];
	_ =	sdelay $0x3  }
0x96: {  	_ =	strace s2  }
0x97: {  	_ =	strace $0x8FFFFFFF  }
0x98: {  	s18 =	sld [smem:$0x3FDB];
	_ =	sdelay $0x1  }
0x99: {  	s19 =	simm.s32 $_scs_section_size  }
0x9a: {  	s4 =	simm.s32 $_size__tile_overlayer_lowered;
	s5 =	simm.s32 $_tile_overlayer_lowered  }
0x9b: {  	s22 =	simm.s32 $0x1BFF;
	s21 =	sshll.u32 s5, $0x1;
	s2 =	sadd.s32 s19, s18  }
0x9c: {  	s6 =	simm.s32 $0x0;
	s20 =	sshll.u32 s4, $0x1;
	s4 =	sadd.s32 s21, s2  }
0x9d: {  	[timem:s6], [sflag:s22] =	dma.local [hbm:s4], s20  }
0x9e: {  	_ =	swait.ge [sflag:s22], s20  }
0x9f: {  	s3 =	ssub.s32 $0x0, s20;
	[sflag:s22] =	ssyncset.done $0x0  }
0xa0: {  	[sflag:s22] =	ssyncadd.s32 s3;
	_ =	sdelay $0x1  }
0xa1: {  	s23 =	simm.s32 $0x1B8B  }
0xa2: {  	_ =	swait.ge [sflag:s23], $0x1  }
0xa3: {  	[sflag:s23] =	ssyncset.done $0x0  }
0xa4: {  	s25 =	simm.s32 $0x1B8E;
	s24 =	sld [smem:$0x3FFE];
	[sflag:s23] =	ssyncadd.s32 $0xFFFFFFFF  }
0xa5: {  	s26 =	simm.s32 $execute0_lowered;
	[smem:$0x3FD2] =	sst s25  }
0xa6: {  	s4 =	sshll.u32 s26, $0x1;
	_ =	strace $0x80000046;
	[dreg:$0x1] =	wrdreg $0xFFFFFFFF  }
0xa7: {  	s28 =	simm.s32 $_size_execute0_lowered;
	s2 =	sadd.s32 s2, s4;
	[dreg:$0x0] =	wrdreg $0x0  }
0xa8: {  	s4 =	sshll.u32 s28, $0x1;
	[dreg:$0x2] =	wrdreg s2  }
0xa9: {  	[dreg:$0x3] =	wrdreg s4  }
0xaa: {  	[dreg:$0x4] =	wrdreg $0xC0  }
0xab: {  	_ =	task [dreg:s6], $0x5FFFF  }
0xac: {  	[dreg:$0x1] =	wrdreg $0xFFFFFFFF  }
0xad: {  	[dreg:$0x0] =	wrdreg $0x60  }
0xae: {  	[dreg:$0x2] =	wrdreg s24  }
0xaf: {  	[dreg:$0x3] =	wrdreg $0x9  }
0xb0: {  	_ =	task.clear_ibuf [dreg:s6], $0x4FFFF;
	_ =	strace $0x90000046  }
0xb1: {  	s29 =	simm.s32 $0x9;
	_ =	strace $0x80000048  }
0xb2: {  	_ =	swait.ge [sflag:s29], $0x1  }
0xb3: {  	[sflag:s29] =	ssyncadd.s32 $0xFFFFFFFF  }
0xb4: {  	_ =	strace $0x90000048  }
0xb5: {  	_ =	sfence  }
0xb6: {  	s30 =	sld [smem:$0x0];
	_ =	sdelay $0x2  }
0xb7: {  	s31 =	sshll.u32 s1, $0xD;
	s1 =	sshrl.u32 s1, $0x2  }
0xb8: {  	s3 =	sand.u32 $0x4000, s31;
	s1 =	sadd.s32 s1, s30  }
0xb9: {  	s0 =	sor.u32 s3, s0;
	s1 =	sshll.u32 s1, $0x11  }
0xba: {  	s0 =	sor.u32 s1, s0  }
0xbb: {  	s0 =	sadd.s32 $0x8F2B, s0  }
0xbc: {  	[sflag:s0] =	ssyncadd.remote.s32 $0x1  }
0xbd: {  	_ =	sfence.sel $0xFFFF  }
0xbe: {  	[dreg:$0x0] =	wrdreg $0xFFFFFFFF;
	(pc) =	sbr.abs _section_cstart, $3  }
0xbf: {  	[dreg:$0x1] =	wrdreg $0xFFFFFFFF  }
0xc0: {  	_ =	task.clear_ibuf [dreg:s6], $0x2FFFF;
	_ =	strace $0x9FFFFFFF  }
0xc1: {  	(tm) =	ssettm $0x7FFFFFFF  }
tec
execute0_lowered:
.L_overlay_start_1:
0x0: {  	(tag) =	ssettag $0x1  }
0x1: {  	s0 =	srdreg.scid;
	s4 =	rddreg [dreg:$0x0]  }
0x2: {  	s2 =	simm.s32 $0x0;
	s10 =	simm.s32 $0x2800;
	s11 =	simm.s32 $0x1  }
0x3: {  	s12 =	simm.s32 $0x80;
	s13 =	simm.s32 $0x400;
	s3 =	sand.u32 $0x1, s0  }
0x4: {  	s14 =	simm.s32 $0x0;
	s0 =	stileid.u32;
	s1 =	sshll.u32 s3, $0x4  }
0x5: {  	[smem:$0x7FF] =	sst s2;
	s7 =	sshll.u32 s0, $0x7;
	s5 =	sor.u32 s0, s1  }
0x6: {  	s3 =	ssub.s32 $0x2, s3;
	s6 =	sshrl.u32 s5, $0x3;
	s5 =	smul.u32 $0x2800, s5  }
0x7: {  	s1 =	rddreg [dreg:$0x1];
	s7 =	sand.u32 $0x380, s7;
	s6 =	smul.u32 $0x14000, s6  }
0x8: {  	_ =	strace $0x80000047;
	s30 =	sshrl.u32 s3, $0x1;
	s5 =	sshrl.u32 s5, $0x3  }
0x9: {  	s31 =	ssub.s32 s3, s30;
	s6 =	sor.u32 s7, s6;
	s9 =	sadd.s32 s5, s4  }
0xa: {  	s6 =	sshrl.u32 s6, $0x3;
	s5 =	sadd.s32 $0x3200, s9;
	s7 =	sadd.s32 $0x3400, s9  }
0xb: {  	s8 =	sadd.s32 $0x3500, s9;
	s4 =	sadd.s32 s6, s4;
	s6 =	sadd.s32 $0x3300, s9  }
0xc: {  	v0 =	vimm.f32 $0.0e+00;
	v1 =	vimm.f32 $1.000000000e+00;
	s9 =	sadd.s32 $0x3600, s9;
	s3 =	sadd.s32 $0xD200, s4;
	s4 =	smax.u32 s31, $0x1  }
.LBB2_1:
0xd: {  	s15 =	simm.s32 $0x40;
	s16 =	simm.s32 $0x0  }
.LBB2_2:
0xe: {  	p0 =	sne.s32 s15, $0x9FC0;
	[tilespmem:s16+$0x0] =	vst v0;
	s16 =	smov.u32 s15;
	s15 =	sadd.s32 $0x40, s15  }
.Ltmp0:
0xf: {  	(pc) =	sbr.rel @p0 .LBB2_2-.Ltmp0, $2  }
0x10: {  	_ =	sdelay $0x2  }
0x11: {  	s16 =	sshra.s32 s16, $0x2  }
0x12: {  	[tilespmem:s16+$0x0] =	vst v0;
	s15 =	simm.s32 $0x0  }
0x13: {  	[tilespmem:s10], [sflag:$0x1] =	stream.linear.gather [hbm4b:s5+s15], $0x800, $0x38;
	[tilespmem:$0x3000] =	vst v63  }
0x14: {  	_ =	swait.ge [sflag:s11], $0x800  }
0x15: {  	[sflag:s11] =	ssyncset.done $0x0  }
0x16: {  	s16 =	simm.s32 $0x0;
	s15 =	simm.s32 $0x40;
	[sflag:s11] =	ssyncadd.s32 $0xFFFFF800  }
.LBB2_4:
0x17: {  	p0 =	sne.s32 s15, $0x1FC0;
	v2 =	vld [tilespmem:s16+$0x2800];
	_ =	sdelay $0x3  }
.Ltmp1:
0x18: {  	(pc) =	sbr.rel @p0 .LBB2_4-.Ltmp1, $2  }
0x19: {  	_ =	sdelay $0x2  }
0x1a: {  	s16 =	sshra.s32 s15, $0x2;
	s15 =	sadd.s32 $0x40, s15;
	[tilespmem:v2+s2+$0x0] =	vst.idx.add.f32.msk $0xffff, v1  }
0x1b: {  	v2 =	vld [tilespmem:s16+$0x2800];
	_ =	sdelay $0x7  }
0x1c: {  	s15 =	simm.s32 $0x0;
	[tilespmem:v2+s2+$0x0] =	vst.idx.add.f32.msk $0xffff, v1  }
0x1d: {  	[tilespmem:s10], [sflag:$0x1] =	stream.linear.gather [hbm4b:s6+s15], $0x800, $0x38;
	[tilespmem:$0x3000] =	vst v63  }
0x1e: {  	_ =	swait.ge [sflag:s11], $0x800  }
0x1f: {  	[sflag:s11] =	ssyncset.done $0x0  }
0x20: {  	s16 =	simm.s32 $0x0;
	s15 =	simm.s32 $0x40;
	[sflag:s11] =	ssyncadd.s32 $0xFFFFF800  }
.LBB2_6:
0x21: {  	p0 =	sne.s32 s15, $0x1FC0;
	v2 =	vld [tilespmem:s16+$0x2800];
	_ =	sdelay $0x3  }
.Ltmp2:
0x22: {  	(pc) =	sbr.rel @p0 .LBB2_6-.Ltmp2, $2  }
0x23: {  	_ =	sdelay $0x2  }
0x24: {  	s16 =	sshra.s32 s15, $0x2;
	s15 =	sadd.s32 $0x40, s15;
	[tilespmem:v2+s2+$0x0] =	vst.idx.add.f32.msk $0xffff, v1  }
0x25: {  	v2 =	vld [tilespmem:s16+$0x2800];
	_ =	sdelay $0x7  }
0x26: {  	s15 =	simm.s32 $0x0;
	[tilespmem:v2+s2+$0x0] =	vst.idx.add.f32.msk $0xffff, v1  }
0x27: {  	[tilespmem:s10], [sflag:$0x1] =	stream.linear.gather [hbm4b:s7+s15], $0x800, $0x38;
	[tilespmem:$0x3000] =	vst v63  }
0x28: {  	_ =	swait.ge [sflag:s11], $0x800  }
0x29: {  	[sflag:s11] =	ssyncset.done $0x0  }
0x2a: {  	s16 =	simm.s32 $0x0;
	s15 =	simm.s32 $0x40;
	[sflag:s11] =	ssyncadd.s32 $0xFFFFF800  }
.LBB2_8:
0x2b: {  	p0 =	sne.s32 s15, $0x1FC0;
	v2 =	vld [tilespmem:s16+$0x2800];
	_ =	sdelay $0x3  }
.Ltmp3:
0x2c: {  	(pc) =	sbr.rel @p0 .LBB2_8-.Ltmp3, $2  }
0x2d: {  	_ =	sdelay $0x2  }
0x2e: {  	s16 =	sshra.s32 s15, $0x2;
	s15 =	sadd.s32 $0x40, s15;
	[tilespmem:v2+s2+$0x0] =	vst.idx.add.f32.msk $0xffff, v1  }
0x2f: {  	v2 =	vld [tilespmem:s16+$0x2800];
	_ =	sdelay $0x7  }
0x30: {  	s15 =	simm.s32 $0x0;
	[tilespmem:v2+s2+$0x0] =	vst.idx.add.f32.msk $0xffff, v1  }
0x31: {  	[tilespmem:s10], [sflag:$0x1] =	stream.linear.gather [hbm4b:s8+s15], $0x800, $0x38;
	[tilespmem:$0x3000] =	vst v63  }
0x32: {  	_ =	swait.ge [sflag:s11], $0x800  }
0x33: {  	[sflag:s11] =	ssyncset.done $0x0  }
0x34: {  	s16 =	simm.s32 $0x0;
	s15 =	simm.s32 $0x40;
	[sflag:s11] =	ssyncadd.s32 $0xFFFFF800  }
.LBB2_10:
0x35: {  	p0 =	sne.s32 s15, $0x1FC0;
	v2 =	vld [tilespmem:s16+$0x2800];
	_ =	sdelay $0x3  }
.Ltmp4:
0x36: {  	(pc) =	sbr.rel @p0 .LBB2_10-.Ltmp4, $2  }
0x37: {  	_ =	sdelay $0x2  }
0x38: {  	s16 =	sshra.s32 s15, $0x2;
	s15 =	sadd.s32 $0x40, s15;
	[tilespmem:v2+s2+$0x0] =	vst.idx.add.f32.msk $0xffff, v1  }
0x39: {  	v2 =	vld [tilespmem:s16+$0x2800];
	_ =	sdelay $0x7  }
0x3a: {  	s15 =	simm.s32 $0x0;
	[tilespmem:v2+s2+$0x0] =	vst.idx.add.f32.msk $0xffff, v1  }
0x3b: {  	[tilespmem:s10], [sflag:$0x1] =	stream.linear.gather [hbm4b:s9+s15], $0x800, $0x38;
	[tilespmem:$0x3000] =	vst v63  }
0x3c: {  	_ =	swait.ge [sflag:s11], $0x800  }
0x3d: {  	[sflag:s11] =	ssyncset.done $0x0  }
0x3e: {  	s16 =	simm.s32 $0x0;
	s15 =	simm.s32 $0x40;
	[sflag:s11] =	ssyncadd.s32 $0xFFFFF800  }
.LBB2_12:
0x3f: {  	p0 =	sne.s32 s15, $0x1FC0;
	v2 =	vld [tilespmem:s16+$0x2800];
	_ =	sdelay $0x3  }
.Ltmp5:
0x40: {  	(pc) =	sbr.rel @p0 .LBB2_12-.Ltmp5, $2  }
0x41: {  	_ =	sdelay $0x2  }
0x42: {  	s16 =	sshra.s32 s15, $0x2;
	s15 =	sadd.s32 $0x40, s15;
	[tilespmem:v2+s2+$0x0] =	vst.idx.add.f32.msk $0xffff, v1  }
0x43: {  	v2 =	vld [tilespmem:s16+$0x2800];
	_ =	sdelay $0x5  }
0x44: {  	s14 =	sadd.s32 $0x1, s14  }
0x45: {  	p0 =	sne.s32 s14, s4  }
.Ltmp6:
0x46: {  	[tilespmem:v2+s2+$0x0] =	vst.idx.add.f32.msk $0xffff, v1;
	(pc) =	sbr.rel @p0 .LBB2_1-.Ltmp6, $4  }
0x47: {  	[hbm4b:s3+s12] =	stream.strided.scatter [tilespmem:s2], [sflag:$0x1], $0x2800, s13, s12, $0x38;
	[tilespmem:$0x3000] =	vst v63  }
0x48: {  	_ =	swait.ge [sflag:s11], $0x2800  }
0x49: {  	[sflag:s11] =	ssyncset.done $0x0  }
0x4a: {  	[sflag:s11] =	ssyncadd.s32 $0xFFFFD800  }
0x4b: {  	_ =	sfence.sel $0x180000  }
0x4c: {  	[bflag:$0x0] =	sbarrier.arrive $0xFFFF  }
0x4d: {  	p0 =	sne.s32 s0, $0x0;
	_ =	strace $0x90000047  }
0x4e: {  	s0 =	sadd.s32 @!p0 $0x100000, s1;
	[bflag:$0x2] =	sbarrier.arrive $0xFFFF  }
0x4f: {  	[sflag:s0] =	ssyncadd.tile.s32 @!p0 $0x1;
	_ =	shalt  }
.Lfunc_end2:
_tile_overlayer_lowered:
.L_overlay_start_2:
0x50: {  	(tag) =	ssettag $0x2  }
0x51: {  	s0 =	rddreg [dreg:$0x0];
	s2 =	stileid.u32  }
0x52: {  	s1 =	rddreg [dreg:$0x1];
	p0 =	sne.s32 s2, $0x0  }
0x53: {  	s3 =	rddreg [dreg:$0x2];
	[bflag:$0x3] =	sbarrier.arrive $0xFFFF;
	s2 =	simm.s32 @!p0 $0x1C01  }
0x54: {  	[timem:s3], [sflag:s2] =	dma.local @!p0 [hbm:s0], s1  }
0x55: {  	s0 =	simm.s32 @!p0 $0x1  }
0x56: {  	_ =	swait.ge @!p0 [sflag:s0], s1  }
0x57: {  	s1 =	ssub.s32 @!p0 $0x0, s1;
	[sflag:s0] =	ssyncset.done @!p0 $0x0  }
0x58: {  	[sflag:s0] =	ssyncadd.s32 @!p0 s1  }
0x59: {  	[bflag:$0x3] =	sbarrier.arrive $0xFFFF  }
0x5a: {  	_ =	shalt  }

</sc_bundles>
